<compile_context>
chip_gen: v7x
topology: tpu7x:2x2x1
jax: 0.10.2.dev20260603
libtpu: 0.0.44.dev20260713+nightly
codegen_flags: <defaults>
</compile_context>

<pallas_src>
import functools

import jax
import jax.numpy as jnp
from jax import lax
from jax.experimental import pallas as pl
from jax.experimental.pallas import tpu as pltpu
from jax.experimental.pallas import tpu_sc as plsc

NC = 2
NS = 16
NW = NC * NS
CHUNK = 128


def _make_sc_gather(B, D):
    rows_per_w = B // NW
    nchunk = rows_per_w // CHUNK
    mesh = plsc.VectorSubcoreMesh(core_axis_name="c", subcore_axis_name="s")

    @functools.partial(
        pl.kernel,
        mesh=mesh,
        compiler_params=pltpu.CompilerParams(use_tc_tiling_on_sc=False),
        out_type=[
            jax.ShapeDtypeStruct((B, D), jnp.float32),
            jax.ShapeDtypeStruct((B, D), jnp.float32),
        ],
        scratch_types=[
            pltpu.VMEM((nchunk, CHUNK), jnp.int32),
            pltpu.VMEM((nchunk, CHUNK), jnp.int32),
            pltpu.VMEM((nchunk, CHUNK, D), jnp.float32),
            pltpu.VMEM((nchunk, CHUNK, D), jnp.float32),
            pltpu.SemaphoreType.DMA,
            pltpu.SemaphoreType.DMA,
        ],
    )
    def sc_gather(u_hbm, i_hbm, ut_hbm, it_hbm, ue_hbm, ie_hbm,
                  idx_u, idx_i, rows_u, rows_i, sem_u, sem_i):
        wid = lax.axis_index("s") * NC + lax.axis_index("c")
        base = wid * rows_per_w
        pltpu.sync_copy(u_hbm.at[pl.ds(wid * nchunk, nchunk)], idx_u)
        pltpu.sync_copy(i_hbm.at[pl.ds(wid * nchunk, nchunk)], idx_i)
        copies = []
        for j in range(nchunk):
            copies.append(
                pltpu.async_copy(ut_hbm.at[idx_u.at[j]], rows_u.at[j], sem_u))
            copies.append(
                pltpu.async_copy(it_hbm.at[idx_i.at[j]], rows_i.at[j], sem_i))
        for c in copies:
            c.wait()
        for j in range(nchunk):
            pltpu.sync_copy(rows_u.at[j],
                            ue_hbm.at[pl.ds(base + j * CHUNK, CHUNK)])
            pltpu.sync_copy(rows_i.at[j],
                            ie_hbm.at[pl.ds(base + j * CHUNK, CHUNK)])

    return sc_gather


def _mlp_body(ue_ref, ie_ref, w1_ref, b1_ref, w2_ref, b2_ref,
              w3_ref, b3_ref, wp_ref, bp_ref, out_ref):
    x = jnp.concatenate([ue_ref[...], ie_ref[...]], axis=1)
    dn = (((1,), (1,)), ((), ()))
    h = lax.dot_general(x, w1_ref[...], dn, preferred_element_type=jnp.float32)
    h = jnp.maximum(h + b1_ref[...], 0.0)
    h = lax.dot_general(h, w2_ref[...], dn, preferred_element_type=jnp.float32)
    h = jnp.maximum(h + b2_ref[...], 0.0)
    h = lax.dot_general(h, w3_ref[...], dn, preferred_element_type=jnp.float32)
    h = jnp.maximum(h + b3_ref[...], 0.0)
    out_ref[...] = jnp.sum(h * wp_ref[...], axis=1) + bp_ref[0]


def _mlp_call(ue, ie, W1, b1, W2, b2, W3, b3, Wp, bp, block_b):
    B = ue.shape[0]
    grid = (B // block_b,)
    full = lambda shape: pl.BlockSpec(shape, lambda ib: (0,) * len(shape))
    return pl.pallas_call(
        _mlp_body,
        grid=grid,
        in_specs=[
            pl.BlockSpec((block_b, ue.shape[1]), lambda ib: (ib, 0)),
            pl.BlockSpec((block_b, ie.shape[1]), lambda ib: (ib, 0)),
            full(W1.shape),
            full((1, b1.shape[0])),
            full(W2.shape),
            full((1, b2.shape[0])),
            full(W3.shape),
            full((1, b3.shape[0])),
            full(Wp.shape),
            pl.BlockSpec(memory_space=pltpu.SMEM),
        ],
        out_specs=pl.BlockSpec((block_b,), lambda ib: (ib,)),
        out_shape=jax.ShapeDtypeStruct((B,), jnp.float32),
    )(ue, ie, W1, b1.reshape(1, -1), W2, b2.reshape(1, -1),
      W3, b3.reshape(1, -1), Wp, bp)


def kernel(u, i, user_table, item_table, W1, b1, W2, b2, W3, b3, Wp, bp):
    B = u.shape[0]
    D = user_table.shape[1]
    u2 = u.astype(jnp.int32).reshape(B // CHUNK, CHUNK)
    i2 = i.astype(jnp.int32).reshape(B // CHUNK, CHUNK)
    ue, ie = _make_sc_gather(B, D)(u2, i2, user_table, item_table)
    return _mlp_call(ue, ie, W1, b1, W2, b2, W3, b3, Wp, bp, block_b=2048)

# --- scband reference (transcript-rebuilt; emitter-appended) ---
"""Pipeline reference for scband-ncf-bpr-31559419691417 (READ-ONLY COPY).

The authoritative reference and input builder live on the scoring server;
editing this copy changes nothing except your own understanding.
"""

import jax, jax.numpy as jnp
import numpy as np

B = 16384
U = 1000000
I = 1000000
D = 64
HIDDEN = [256, 128, 64]


def _linear_params(key, out_f, in_f):
    kw, kb = jax.random.split(key)
    bound = 1.0 / np.sqrt(in_f)
    W = jax.random.uniform(kw, (out_f, in_f), minval=-bound, maxval=bound, dtype=jnp.float32)
    b = jax.random.uniform(kb, (out_f,), minval=-bound, maxval=bound, dtype=jnp.float32)
    return W, b


def setup_inputs(seed: int = 0) -> dict:
    key = jax.random.key(seed)
    ks = jax.random.split(key, 8)
    u = jax.random.randint(ks[0], (B,), 0, U, dtype=jnp.int64)
    i = jax.random.randint(ks[1], (B,), 0, I, dtype=jnp.int64)
    user_table = jax.random.normal(ks[2], (U, D), dtype=jnp.float32) * 0.01
    item_table = jax.random.normal(ks[3], (I, D), dtype=jnp.float32) * 0.01
    W1, b1 = _linear_params(ks[4], HIDDEN[0], 2 * D)
    W2, b2 = _linear_params(ks[5], HIDDEN[1], HIDDEN[0])
    W3, b3 = _linear_params(ks[6], HIDDEN[2], HIDDEN[1])
    Wp, bp = _linear_params(ks[7], 1, HIDDEN[2])
    return {
        "u": u, "i": i,
        "user_table": user_table, "item_table": item_table,
        "W1": W1, "b1": b1, "W2": W2, "b2": b2,
        "W3": W3, "b3": b3, "Wp": Wp, "bp": bp,
    }


def reference(u, i, user_table, item_table, W1, b1, W2, b2, W3, b3, Wp, bp):
    # embedding lookups (gather)
    u_e = jnp.take(user_table, u, axis=0)
    i_e = jnp.take(item_table, i, axis=0)
    x = jnp.concatenate([u_e, i_e], axis=1)
    # MLP: Linear -> ReLU -> Dropout(eval: identity), repeated
    h = jax.nn.relu(x @ W1.T + b1)
    h = jax.nn.relu(h @ W2.T + b2)
    h = jax.nn.relu(h @ W3.T + b3)
    out = (h @ Wp.T + bp).squeeze(-1)
    return out

if __name__ == "__main__":
    import jax
    _d = setup_inputs()
    print(jax.jit(kernel)(*tuple(_d.values())))

</pallas_src>

<mosaic_0001>
#map = affine_map<(d0, d1) -> (0, 0)>
module attributes {stable_mosaic.version = 14 : i64} {
  func.func @sc_gather(%arg0: i32, %arg1: i32, %arg2: memref<128x128xi32, #tpu.memory_space<hbm>>, %arg3: memref<128x128xi32, #tpu.memory_space<hbm>>, %arg4: memref<1000000x64xf32, #tpu.memory_space<hbm>>, %arg5: memref<1000000x64xf32, #tpu.memory_space<hbm>>, %arg6: memref<16384x64xf32, #tpu.memory_space<hbm>>, %arg7: memref<16384x64xf32, #tpu.memory_space<hbm>>, %arg8: memref<4x128xi32, #tpu.memory_space<vmem>>, %arg9: memref<4x128xi32, #tpu.memory_space<vmem>>, %arg10: memref<4x128x64xf32, #tpu.memory_space<vmem>>, %arg11: memref<4x128x64xf32, #tpu.memory_space<vmem>>, %arg12: memref<!tpu.dma_semaphore, #tpu.memory_space<semaphore_mem>>, %arg13: memref<!tpu.dma_semaphore, #tpu.memory_space<semaphore_mem>>) attributes {dimension_semantics = [#tpu.dimension_semantics<core_parallel>, #tpu.dimension_semantics<subcore_parallel>], iteration_bounds = array<i64: 2, 16>, scalar_prefetch = 0 : i64, scratch_operands = 6 : i64, tpu.core_type = #tpu.core_type<sc_vector_subcore>, window_params = [{transform_indices = #map}, {transform_indices = #map}, {transform_indices = #map}, {transform_indices = #map}, {transform_indices = #map}, {transform_indices = #map}]} {
    %mul3A = arith.constant 2 : i32
    %mul3A_0 = arith.muli %arg1, %mul3A : i32
    %add3A = arith.addi %mul3A_0, %arg0 : i32
    %mul3A_1 = arith.constant 512 : i32
    %mul3A_2 = arith.muli %add3A, %mul3A_1 : i32
    %mul3A_3 = arith.constant 4 : i32
    %mul3A_4 = arith.muli %add3A, %mul3A_3 : i32
    "tpu.region"() ({
      %run_scoped3A_220 = tpu.sem_alloc : memref<!tpu.dma_semaphore, #tpu.memory_space<semaphore_mem>>
      %dma_start3A_221 = arith.constant 0 : i32
      %dma_start3A_222 = tpu.memref_slice %arg2[%mul3A_4, %dma_start3A_221] : memref<128x128xi32, #tpu.memory_space<hbm>> -> memref<4x128xi32, #tpu.memory_space<hbm>>
      %dma_start3A_223 = arith.constant 0 : i32
      %dma_start3A_224 = tpu.memref_slice %arg2[%mul3A_4, %dma_start3A_223] : memref<128x128xi32, #tpu.memory_space<hbm>> -> memref<4x128xi32, #tpu.memory_space<hbm>>
      tpu.enqueue_dma source(%dma_start3A_224 : memref<4x128xi32, #tpu.memory_space<hbm>>) target(%arg8 : memref<4x128xi32, #tpu.memory_space<vmem>>) target_semaphore(%run_scoped3A_220 : memref<!tpu.dma_semaphore, #tpu.memory_space<semaphore_mem>>)
      %dma_wait3A_225 = arith.constant 0 : i32
      %dma_wait3A_226 = tpu.memref_slice %arg2[%mul3A_4, %dma_wait3A_225] : memref<128x128xi32, #tpu.memory_space<hbm>> -> memref<4x128xi32, #tpu.memory_space<hbm>>
      %dma_wait3A_227 = arith.constant 0 : i32
      %dma_wait3A_228 = tpu.memref_slice %arg2[%mul3A_4, %dma_wait3A_227] : memref<128x128xi32, #tpu.memory_space<hbm>> -> memref<4x128xi32, #tpu.memory_space<hbm>>
      tpu.wait_dma2 semaphore(%run_scoped3A_220 : memref<!tpu.dma_semaphore, #tpu.memory_space<semaphore_mem>>) src(%dma_wait3A_228 : memref<4x128xi32, #tpu.memory_space<hbm>>) dst(%arg8 : memref<4x128xi32, #tpu.memory_space<vmem>>)
      tpu.yield
    }) : () -> ()
    %mul3A_5 = arith.constant 4 : i32
    %mul3A_6 = arith.muli %add3A, %mul3A_5 : i32
    "tpu.region"() ({
      %run_scoped3A_220 = tpu.sem_alloc : memref<!tpu.dma_semaphore, #tpu.memory_space<semaphore_mem>>
      %dma_start3A_221 = arith.constant 0 : i32
      %dma_start3A_222 = tpu.memref_slice %arg3[%mul3A_6, %dma_start3A_221] : memref<128x128xi32, #tpu.memory_space<hbm>> -> memref<4x128xi32, #tpu.memory_space<hbm>>
      %dma_start3A_223 = arith.constant 0 : i32
      %dma_start3A_224 = tpu.memref_slice %arg3[%mul3A_6, %dma_start3A_223] : memref<128x128xi32, #tpu.memory_space<hbm>> -> memref<4x128xi32, #tpu.memory_space<hbm>>
      tpu.enqueue_dma source(%dma_start3A_224 : memref<4x128xi32, #tpu.memory_space<hbm>>) target(%arg9 : memref<4x128xi32, #tpu.memory_space<vmem>>) target_semaphore(%run_scoped3A_220 : memref<!tpu.dma_semaphore, #tpu.memory_space<semaphore_mem>>)
      %dma_wait3A_225 = arith.constant 0 : i32
      %dma_wait3A_226 = tpu.memref_slice %arg3[%mul3A_6, %dma_wait3A_225] : memref<128x128xi32, #tpu.memory_space<hbm>> -> memref<4x128xi32, #tpu.memory_space<hbm>>
      %dma_wait3A_227 = arith.constant 0 : i32
      %dma_wait3A_228 = tpu.memref_slice %arg3[%mul3A_6, %dma_wait3A_227] : memref<128x128xi32, #tpu.memory_space<hbm>> -> memref<4x128xi32, #tpu.memory_space<hbm>>
      tpu.wait_dma2 semaphore(%run_scoped3A_220 : memref<!tpu.dma_semaphore, #tpu.memory_space<semaphore_mem>>) src(%dma_wait3A_228 : memref<4x128xi32, #tpu.memory_space<hbm>>) dst(%arg9 : memref<4x128xi32, #tpu.memory_space<vmem>>)
      tpu.yield
    }) : () -> ()
    %dma_start3A = arith.constant 0 : i32
    %dma_start3A_7 = arith.constant 0 : i32
    %dma_start3A_8 = arith.constant 0 : i32
    %dma_start3A_9 = arith.constant 0 : i32
    %dma_start3A_10 = tpu.memref_slice %arg10[%dma_start3A_7, %dma_start3A_8, %dma_start3A_9] : memref<4x128x64xf32, #tpu.memory_space<vmem>> -> memref<1x128x64xf32, #tpu.memory_space<vmem>>
    %dma_start3A_11 = tpu.memref_squeeze %dma_start3A_10 : memref<1x128x64xf32, #tpu.memory_space<vmem>> -> memref<128x64xf32, #tpu.memory_space<vmem>>
    %dma_start3A_12 = arith.constant 0 : i32
    %dma_start3A_13 = tpu.memref_slice %arg8[%dma_start3A, %dma_start3A_12] : memref<4x128xi32, #tpu.memory_space<vmem>> -> memref<1x128xi32, #tpu.memory_space<vmem>>
    %dma_start3A_14 = tpu.memref_squeeze %dma_start3A_13 : memref<1x128xi32, #tpu.memory_space<vmem>> -> memref<128xi32, #tpu.memory_space<vmem>>
    %dma_start3A_15 = arith.constant 0 : i32
    %dma_start3A_16 = arith.constant 0 : i32
    %dma_start3A_17 = tpu.memref_slice %arg4[%dma_start3A_15, %dma_start3A_16] : memref<1000000x64xf32, #tpu.memory_space<hbm>> -> memref<1000000x64xf32, #tpu.memory_space<hbm>>
    tpu.enqueue_indirect_dma source(%dma_start3A_17 : memref<1000000x64xf32, #tpu.memory_space<hbm>>) target(%dma_start3A_11 : memref<128x64xf32, #tpu.memory_space<vmem>>) offsets(%dma_start3A_14 : memref<128xi32, #tpu.memory_space<vmem>>) semaphore(%arg12 : memref<!tpu.dma_semaphore, #tpu.memory_space<semaphore_mem>>)
    %dma_start3A_18 = arith.constant 0 : i32
    %dma_start3A_19 = arith.constant 0 : i32
    %dma_start3A_20 = arith.constant 0 : i32
    %dma_start3A_21 = arith.constant 0 : i32
    %dma_start3A_22 = tpu.memref_slice %arg11[%dma_start3A_19, %dma_start3A_20, %dma_start3A_21] : memref<4x128x64xf32, #tpu.memory_space<vmem>> -> memref<1x128x64xf32, #tpu.memory_space<vmem>>
    %dma_start3A_23 = tpu.memref_squeeze %dma_start3A_22 : memref<1x128x64xf32, #tpu.memory_space<vmem>> -> memref<128x64xf32, #tpu.memory_space<vmem>>
    %dma_start3A_24 = arith.constant 0 : i32
    %dma_start3A_25 = tpu.memref_slice %arg9[%dma_start3A_18, %dma_start3A_24] : memref<4x128xi32, #tpu.memory_space<vmem>> -> memref<1x128xi32, #tpu.memory_space<vmem>>
    %dma_start3A_26 = tpu.memref_squeeze %dma_start3A_25 : memref<1x128xi32, #tpu.memory_space<vmem>> -> memref<128xi32, #tpu.memory_space<vmem>>
    %dma_start3A_27 = arith.constant 0 : i32
    %dma_start3A_28 = arith.constant 0 : i32
    %dma_start3A_29 = tpu.memref_slice %arg5[%dma_start3A_27, %dma_start3A_28] : memref<1000000x64xf32, #tpu.memory_space<hbm>> -> memref<1000000x64xf32, #tpu.memory_space<hbm>>
    tpu.enqueue_indirect_dma source(%dma_start3A_29 : memref<1000000x64xf32, #tpu.memory_space<hbm>>) target(%dma_start3A_23 : memref<128x64xf32, #tpu.memory_space<vmem>>) offsets(%dma_start3A_26 : memref<128xi32, #tpu.memory_space<vmem>>) semaphore(%arg13 : memref<!tpu.dma_semaphore, #tpu.memory_space<semaphore_mem>>)
    %dma_start3A_30 = arith.constant 1 : i32
    %dma_start3A_31 = arith.constant 1 : i32
    %dma_start3A_32 = arith.constant 0 : i32
    %dma_start3A_33 = arith.constant 0 : i32
    %dma_start3A_34 = tpu.memref_slice %arg10[%dma_start3A_31, %dma_start3A_32, %dma_start3A_33] : memref<4x128x64xf32, #tpu.memory_space<vmem>> -> memref<1x128x64xf32, #tpu.memory_space<vmem>>
    %dma_start3A_35 = tpu.memref_squeeze %dma_start3A_34 : memref<1x128x64xf32, #tpu.memory_space<vmem>> -> memref<128x64xf32, #tpu.memory_space<vmem>>
    %dma_start3A_36 = arith.constant 0 : i32
    %dma_start3A_37 = tpu.memref_slice %arg8[%dma_start3A_30, %dma_start3A_36] : memref<4x128xi32, #tpu.memory_space<vmem>> -> memref<1x128xi32, #tpu.memory_space<vmem>>
    %dma_start3A_38 = tpu.memref_squeeze %dma_start3A_37 : memref<1x128xi32, #tpu.memory_space<vmem>> -> memref<128xi32, #tpu.memory_space<vmem>>
    %dma_start3A_39 = arith.constant 0 : i32
    %dma_start3A_40 = arith.constant 0 : i32
    %dma_start3A_41 = tpu.memref_slice %arg4[%dma_start3A_39, %dma_start3A_40] : memref<1000000x64xf32, #tpu.memory_space<hbm>> -> memref<1000000x64xf32, #tpu.memory_space<hbm>>
    tpu.enqueue_indirect_dma source(%dma_start3A_41 : memref<1000000x64xf32, #tpu.memory_space<hbm>>) target(%dma_start3A_35 : memref<128x64xf32, #tpu.memory_space<vmem>>) offsets(%dma_start3A_38 : memref<128xi32, #tpu.memory_space<vmem>>) semaphore(%arg12 : memref<!tpu.dma_semaphore, #tpu.memory_space<semaphore_mem>>)
    %dma_start3A_42 = arith.constant 1 : i32
    %dma_start3A_43 = arith.constant 1 : i32
    %dma_start3A_44 = arith.constant 0 : i32
    %dma_start3A_45 = arith.constant 0 : i32
    %dma_start3A_46 = tpu.memref_slice %arg11[%dma_start3A_43, %dma_start3A_44, %dma_start3A_45] : memref<4x128x64xf32, #tpu.memory_space<vmem>> -> memref<1x128x64xf32, #tpu.memory_space<vmem>>
    %dma_start3A_47 = tpu.memref_squeeze %dma_start3A_46 : memref<1x128x64xf32, #tpu.memory_space<vmem>> -> memref<128x64xf32, #tpu.memory_space<vmem>>
    %dma_start3A_48 = arith.constant 0 : i32
    %dma_start3A_49 = tpu.memref_slice %arg9[%dma_start3A_42, %dma_start3A_48] : memref<4x128xi32, #tpu.memory_space<vmem>> -> memref<1x128xi32, #tpu.memory_space<vmem>>
    %dma_start3A_50 = tpu.memref_squeeze %dma_start3A_49 : memref<1x128xi32, #tpu.memory_space<vmem>> -> memref<128xi32, #tpu.memory_space<vmem>>
    %dma_start3A_51 = arith.constant 0 : i32
    %dma_start3A_52 = arith.constant 0 : i32
    %dma_start3A_53 = tpu.memref_slice %arg5[%dma_start3A_51, %dma_start3A_52] : memref<1000000x64xf32, #tpu.memory_space<hbm>> -> memref<1000000x64xf32, #tpu.memory_space<hbm>>
    tpu.enqueue_indirect_dma source(%dma_start3A_53 : memref<1000000x64xf32, #tpu.memory_space<hbm>>) target(%dma_start3A_47 : memref<128x64xf32, #tpu.memory_space<vmem>>) offsets(%dma_start3A_50 : memref<128xi32, #tpu.memory_space<vmem>>) semaphore(%arg13 : memref<!tpu.dma_semaphore, #tpu.memory_space<semaphore_mem>>)
    %dma_start3A_54 = arith.constant 2 : i32
    %dma_start3A_55 = arith.constant 2 : i32
    %dma_start3A_56 = arith.constant 0 : i32
    %dma_start3A_57 = arith.constant 0 : i32
    %dma_start3A_58 = tpu.memref_slice %arg10[%dma_start3A_55, %dma_start3A_56, %dma_start3A_57] : memref<4x128x64xf32, #tpu.memory_space<vmem>> -> memref<1x128x64xf32, #tpu.memory_space<vmem>>
    %dma_start3A_59 = tpu.memref_squeeze %dma_start3A_58 : memref<1x128x64xf32, #tpu.memory_space<vmem>> -> memref<128x64xf32, #tpu.memory_space<vmem>>
    %dma_start3A_60 = arith.constant 0 : i32
    %dma_start3A_61 = tpu.memref_slice %arg8[%dma_start3A_54, %dma_start3A_60] : memref<4x128xi32, #tpu.memory_space<vmem>> -> memref<1x128xi32, #tpu.memory_space<vmem>>
    %dma_start3A_62 = tpu.memref_squeeze %dma_start3A_61 : memref<1x128xi32, #tpu.memory_space<vmem>> -> memref<128xi32, #tpu.memory_space<vmem>>
    %dma_start3A_63 = arith.constant 0 : i32
    %dma_start3A_64 = arith.constant 0 : i32
    %dma_start3A_65 = tpu.memref_slice %arg4[%dma_start3A_63, %dma_start3A_64] : memref<1000000x64xf32, #tpu.memory_space<hbm>> -> memref<1000000x64xf32, #tpu.memory_space<hbm>>
    tpu.enqueue_indirect_dma source(%dma_start3A_65 : memref<1000000x64xf32, #tpu.memory_space<hbm>>) target(%dma_start3A_59 : memref<128x64xf32, #tpu.memory_space<vmem>>) offsets(%dma_start3A_62 : memref<128xi32, #tpu.memory_space<vmem>>) semaphore(%arg12 : memref<!tpu.dma_semaphore, #tpu.memory_space<semaphore_mem>>)
    %dma_start3A_66 = arith.constant 2 : i32
    %dma_start3A_67 = arith.constant 2 : i32
    %dma_start3A_68 = arith.constant 0 : i32
    %dma_start3A_69 = arith.constant 0 : i32
    %dma_start3A_70 = tpu.memref_slice %arg11[%dma_start3A_67, %dma_start3A_68, %dma_start3A_69] : memref<4x128x64xf32, #tpu.memory_space<vmem>> -> memref<1x128x64xf32, #tpu.memory_space<vmem>>
    %dma_start3A_71 = tpu.memref_squeeze %dma_start3A_70 : memref<1x128x64xf32, #tpu.memory_space<vmem>> -> memref<128x64xf32, #tpu.memory_space<vmem>>
    %dma_start3A_72 = arith.constant 0 : i32
    %dma_start3A_73 = tpu.memref_slice %arg9[%dma_start3A_66, %dma_start3A_72] : memref<4x128xi32, #tpu.memory_space<vmem>> -> memref<1x128xi32, #tpu.memory_space<vmem>>
    %dma_start3A_74 = tpu.memref_squeeze %dma_start3A_73 : memref<1x128xi32, #tpu.memory_space<vmem>> -> memref<128xi32, #tpu.memory_space<vmem>>
    %dma_start3A_75 = arith.constant 0 : i32
    %dma_start3A_76 = arith.constant 0 : i32
    %dma_start3A_77 = tpu.memref_slice %arg5[%dma_start3A_75, %dma_start3A_76] : memref<1000000x64xf32, #tpu.memory_space<hbm>> -> memref<1000000x64xf32, #tpu.memory_space<hbm>>
    tpu.enqueue_indirect_dma source(%dma_start3A_77 : memref<1000000x64xf32, #tpu.memory_space<hbm>>) target(%dma_start3A_71 : memref<128x64xf32, #tpu.memory_space<vmem>>) offsets(%dma_start3A_74 : memref<128xi32, #tpu.memory_space<vmem>>) semaphore(%arg13 : memref<!tpu.dma_semaphore, #tpu.memory_space<semaphore_mem>>)
    %dma_start3A_78 = arith.constant 3 : i32
    %dma_start3A_79 = arith.constant 3 : i32
    %dma_start3A_80 = arith.constant 0 : i32
    %dma_start3A_81 = arith.constant 0 : i32
    %dma_start3A_82 = tpu.memref_slice %arg10[%dma_start3A_79, %dma_start3A_80, %dma_start3A_81] : memref<4x128x64xf32, #tpu.memory_space<vmem>> -> memref<1x128x64xf32, #tpu.memory_space<vmem>>
    %dma_start3A_83 = tpu.memref_squeeze %dma_start3A_82 : memref<1x128x64xf32, #tpu.memory_space<vmem>> -> memref<128x64xf32, #tpu.memory_space<vmem>>
    %dma_start3A_84 = arith.constant 0 : i32
    %dma_start3A_85 = tpu.memref_slice %arg8[%dma_start3A_78, %dma_start3A_84] : memref<4x128xi32, #tpu.memory_space<vmem>> -> memref<1x128xi32, #tpu.memory_space<vmem>>
    %dma_start3A_86 = tpu.memref_squeeze %dma_start3A_85 : memref<1x128xi32, #tpu.memory_space<vmem>> -> memref<128xi32, #tpu.memory_space<vmem>>
    %dma_start3A_87 = arith.constant 0 : i32
    %dma_start3A_88 = arith.constant 0 : i32
    %dma_start3A_89 = tpu.memref_slice %arg4[%dma_start3A_87, %dma_start3A_88] : memref<1000000x64xf32, #tpu.memory_space<hbm>> -> memref<1000000x64xf32, #tpu.memory_space<hbm>>
    tpu.enqueue_indirect_dma source(%dma_start3A_89 : memref<1000000x64xf32, #tpu.memory_space<hbm>>) target(%dma_start3A_83 : memref<128x64xf32, #tpu.memory_space<vmem>>) offsets(%dma_start3A_86 : memref<128xi32, #tpu.memory_space<vmem>>) semaphore(%arg12 : memref<!tpu.dma_semaphore, #tpu.memory_space<semaphore_mem>>)
    %dma_start3A_90 = arith.constant 3 : i32
    %dma_start3A_91 = arith.constant 3 : i32
    %dma_start3A_92 = arith.constant 0 : i32
    %dma_start3A_93 = arith.constant 0 : i32
    %dma_start3A_94 = tpu.memref_slice %arg11[%dma_start3A_91, %dma_start3A_92, %dma_start3A_93] : memref<4x128x64xf32, #tpu.memory_space<vmem>> -> memref<1x128x64xf32, #tpu.memory_space<vmem>>
    %dma_start3A_95 = tpu.memref_squeeze %dma_start3A_94 : memref<1x128x64xf32, #tpu.memory_space<vmem>> -> memref<128x64xf32, #tpu.memory_space<vmem>>
    %dma_start3A_96 = arith.constant 0 : i32
    %dma_start3A_97 = tpu.memref_slice %arg9[%dma_start3A_90, %dma_start3A_96] : memref<4x128xi32, #tpu.memory_space<vmem>> -> memref<1x128xi32, #tpu.memory_space<vmem>>
    %dma_start3A_98 = tpu.memref_squeeze %dma_start3A_97 : memref<1x128xi32, #tpu.memory_space<vmem>> -> memref<128xi32, #tpu.memory_space<vmem>>
    %dma_start3A_99 = arith.constant 0 : i32
    %dma_start3A_100 = arith.constant 0 : i32
    %dma_start3A_101 = tpu.memref_slice %arg5[%dma_start3A_99, %dma_start3A_100] : memref<1000000x64xf32, #tpu.memory_space<hbm>> -> memref<1000000x64xf32, #tpu.memory_space<hbm>>
    tpu.enqueue_indirect_dma source(%dma_start3A_101 : memref<1000000x64xf32, #tpu.memory_space<hbm>>) target(%dma_start3A_95 : memref<128x64xf32, #tpu.memory_space<vmem>>) offsets(%dma_start3A_98 : memref<128xi32, #tpu.memory_space<vmem>>) semaphore(%arg13 : memref<!tpu.dma_semaphore, #tpu.memory_space<semaphore_mem>>)
    %dma_wait3A = arith.constant 0 : i32
    %dma_wait3A_102 = arith.constant 0 : i32
    %dma_wait3A_103 = arith.constant 0 : i32
    %dma_wait3A_104 = arith.constant 0 : i32
    %dma_wait3A_105 = tpu.memref_slice %arg10[%dma_wait3A_102, %dma_wait3A_103, %dma_wait3A_104] : memref<4x128x64xf32, #tpu.memory_space<vmem>> -> memref<1x128x64xf32, #tpu.memory_space<vmem>>
    %dma_wait3A_106 = tpu.memref_squeeze %dma_wait3A_105 : memref<1x128x64xf32, #tpu.memory_space<vmem>> -> memref<128x64xf32, #tpu.memory_space<vmem>>
    %dma_wait3A_107 = arith.constant 0 : i32
    %dma_wait3A_108 = tpu.memref_slice %arg8[%dma_wait3A, %dma_wait3A_107] : memref<4x128xi32, #tpu.memory_space<vmem>> -> memref<1x128xi32, #tpu.memory_space<vmem>>
    %dma_wait3A_109 = tpu.memref_squeeze %dma_wait3A_108 : memref<1x128xi32, #tpu.memory_space<vmem>> -> memref<128xi32, #tpu.memory_space<vmem>>
    %dma_wait3A_110 = arith.constant 0 : i32
    %dma_wait3A_111 = arith.constant 0 : i32
    %dma_wait3A_112 = tpu.memref_slice %arg4[%dma_wait3A_110, %dma_wait3A_111] : memref<1000000x64xf32, #tpu.memory_space<hbm>> -> memref<1000000x64xf32, #tpu.memory_space<hbm>>
    tpu.wait_indirect_dma semaphore(%arg12 : memref<!tpu.dma_semaphore, #tpu.memory_space<semaphore_mem>>) src(%dma_wait3A_112 : memref<1000000x64xf32, #tpu.memory_space<hbm>>) dst(%dma_wait3A_106 : memref<128x64xf32, #tpu.memory_space<vmem>>)
    %dma_wait3A_113 = arith.constant 0 : i32
    %dma_wait3A_114 = arith.constant 0 : i32
    %dma_wait3A_115 = arith.constant 0 : i32
    %dma_wait3A_116 = arith.constant 0 : i32
    %dma_wait3A_117 = tpu.memref_slice %arg11[%dma_wait3A_114, %dma_wait3A_115, %dma_wait3A_116] : memref<4x128x64xf32, #tpu.memory_space<vmem>> -> memref<1x128x64xf32, #tpu.memory_space<vmem>>
    %dma_wait3A_118 = tpu.memref_squeeze %dma_wait3A_117 : memref<1x128x64xf32, #tpu.memory_space<vmem>> -> memref<128x64xf32, #tpu.memory_space<vmem>>
    %dma_wait3A_119 = arith.constant 0 : i32
    %dma_wait3A_120 = tpu.memref_slice %arg9[%dma_wait3A_113, %dma_wait3A_119] : memref<4x128xi32, #tpu.memory_space<vmem>> -> memref<1x128xi32, #tpu.memory_space<vmem>>
    %dma_wait3A_121 = tpu.memref_squeeze %dma_wait3A_120 : memref<1x128xi32, #tpu.memory_space<vmem>> -> memref<128xi32, #tpu.memory_space<vmem>>
    %dma_wait3A_122 = arith.constant 0 : i32
    %dma_wait3A_123 = arith.constant 0 : i32
    %dma_wait3A_124 = tpu.memref_slice %arg5[%dma_wait3A_122, %dma_wait3A_123] : memref<1000000x64xf32, #tpu.memory_space<hbm>> -> memref<1000000x64xf32, #tpu.memory_space<hbm>>
    tpu.wait_indirect_dma semaphore(%arg13 : memref<!tpu.dma_semaphore, #tpu.memory_space<semaphore_mem>>) src(%dma_wait3A_124 : memref<1000000x64xf32, #tpu.memory_space<hbm>>) dst(%dma_wait3A_118 : memref<128x64xf32, #tpu.memory_space<vmem>>)
    %dma_wait3A_125 = arith.constant 1 : i32
    %dma_wait3A_126 = arith.constant 1 : i32
    %dma_wait3A_127 = arith.constant 0 : i32
    %dma_wait3A_128 = arith.constant 0 : i32
    %dma_wait3A_129 = tpu.memref_slice %arg10[%dma_wait3A_126, %dma_wait3A_127, %dma_wait3A_128] : memref<4x128x64xf32, #tpu.memory_space<vmem>> -> memref<1x128x64xf32, #tpu.memory_space<vmem>>
    %dma_wait3A_130 = tpu.memref_squeeze %dma_wait3A_129 : memref<1x128x64xf32, #tpu.memory_space<vmem>> -> memref<128x64xf32, #tpu.memory_space<vmem>>
    %dma_wait3A_131 = arith.constant 0 : i32
    %dma_wait3A_132 = tpu.memref_slice %arg8[%dma_wait3A_125, %dma_wait3A_131] : memref<4x128xi32, #tpu.memory_space<vmem>> -> memref<1x128xi32, #tpu.memory_space<vmem>>
    %dma_wait3A_133 = tpu.memref_squeeze %dma_wait3A_132 : memref<1x128xi32, #tpu.memory_space<vmem>> -> memref<128xi32, #tpu.memory_space<vmem>>
    %dma_wait3A_134 = arith.constant 0 : i32
    %dma_wait3A_135 = arith.constant 0 : i32
    %dma_wait3A_136 = tpu.memref_slice %arg4[%dma_wait3A_134, %dma_wait3A_135] : memref<1000000x64xf32, #tpu.memory_space<hbm>> -> memref<1000000x64xf32, #tpu.memory_space<hbm>>
    tpu.wait_indirect_dma semaphore(%arg12 : memref<!tpu.dma_semaphore, #tpu.memory_space<semaphore_mem>>) src(%dma_wait3A_136 : memref<1000000x64xf32, #tpu.memory_space<hbm>>) dst(%dma_wait3A_130 : memref<128x64xf32, #tpu.memory_space<vmem>>)
    %dma_wait3A_137 = arith.constant 1 : i32
    %dma_wait3A_138 = arith.constant 1 : i32
    %dma_wait3A_139 = arith.constant 0 : i32
    %dma_wait3A_140 = arith.constant 0 : i32
    %dma_wait3A_141 = tpu.memref_slice %arg11[%dma_wait3A_138, %dma_wait3A_139, %dma_wait3A_140] : memref<4x128x64xf32, #tpu.memory_space<vmem>> -> memref<1x128x64xf32, #tpu.memory_space<vmem>>
    %dma_wait3A_142 = tpu.memref_squeeze %dma_wait3A_141 : memref<1x128x64xf32, #tpu.memory_space<vmem>> -> memref<128x64xf32, #tpu.memory_space<vmem>>
    %dma_wait3A_143 = arith.constant 0 : i32
    %dma_wait3A_144 = tpu.memref_slice %arg9[%dma_wait3A_137, %dma_wait3A_143] : memref<4x128xi32, #tpu.memory_space<vmem>> -> memref<1x128xi32, #tpu.memory_space<vmem>>
    %dma_wait3A_145 = tpu.memref_squeeze %dma_wait3A_144 : memref<1x128xi32, #tpu.memory_space<vmem>> -> memref<128xi32, #tpu.memory_space<vmem>>
    %dma_wait3A_146 = arith.constant 0 : i32
    %dma_wait3A_147 = arith.constant 0 : i32
    %dma_wait3A_148 = tpu.memref_slice %arg5[%dma_wait3A_146, %dma_wait3A_147] : memref<1000000x64xf32, #tpu.memory_space<hbm>> -> memref<1000000x64xf32, #tpu.memory_space<hbm>>
    tpu.wait_indirect_dma semaphore(%arg13 : memref<!tpu.dma_semaphore, #tpu.memory_space<semaphore_mem>>) src(%dma_wait3A_148 : memref<1000000x64xf32, #tpu.memory_space<hbm>>) dst(%dma_wait3A_142 : memref<128x64xf32, #tpu.memory_space<vmem>>)
    %dma_wait3A_149 = arith.constant 2 : i32
    %dma_wait3A_150 = arith.constant 2 : i32
    %dma_wait3A_151 = arith.constant 0 : i32
    %dma_wait3A_152 = arith.constant 0 : i32
    %dma_wait3A_153 = tpu.memref_slice %arg10[%dma_wait3A_150, %dma_wait3A_151, %dma_wait3A_152] : memref<4x128x64xf32, #tpu.memory_space<vmem>> -> memref<1x128x64xf32, #tpu.memory_space<vmem>>
    %dma_wait3A_154 = tpu.memref_squeeze %dma_wait3A_153 : memref<1x128x64xf32, #tpu.memory_space<vmem>> -> memref<128x64xf32, #tpu.memory_space<vmem>>
    %dma_wait3A_155 = arith.constant 0 : i32
    %dma_wait3A_156 = tpu.memref_slice %arg8[%dma_wait3A_149, %dma_wait3A_155] : memref<4x128xi32, #tpu.memory_space<vmem>> -> memref<1x128xi32, #tpu.memory_space<vmem>>
    %dma_wait3A_157 = tpu.memref_squeeze %dma_wait3A_156 : memref<1x128xi32, #tpu.memory_space<vmem>> -> memref<128xi32, #tpu.memory_space<vmem>>
    %dma_wait3A_158 = arith.constant 0 : i32
    %dma_wait3A_159 = arith.constant 0 : i32
    %dma_wait3A_160 = tpu.memref_slice %arg4[%dma_wait3A_158, %dma_wait3A_159] : memref<1000000x64xf32, #tpu.memory_space<hbm>> -> memref<1000000x64xf32, #tpu.memory_space<hbm>>
    tpu.wait_indirect_dma semaphore(%arg12 : memref<!tpu.dma_semaphore, #tpu.memory_space<semaphore_mem>>) src(%dma_wait3A_160 : memref<1000000x64xf32, #tpu.memory_space<hbm>>) dst(%dma_wait3A_154 : memref<128x64xf32, #tpu.memory_space<vmem>>)
    %dma_wait3A_161 = arith.constant 2 : i32
    %dma_wait3A_162 = arith.constant 2 : i32
    %dma_wait3A_163 = arith.constant 0 : i32
    %dma_wait3A_164 = arith.constant 0 : i32
    %dma_wait3A_165 = tpu.memref_slice %arg11[%dma_wait3A_162, %dma_wait3A_163, %dma_wait3A_164] : memref<4x128x64xf32, #tpu.memory_space<vmem>> -> memref<1x128x64xf32, #tpu.memory_space<vmem>>
    %dma_wait3A_166 = tpu.memref_squeeze %dma_wait3A_165 : memref<1x128x64xf32, #tpu.memory_space<vmem>> -> memref<128x64xf32, #tpu.memory_space<vmem>>
    %dma_wait3A_167 = arith.constant 0 : i32
    %dma_wait3A_168 = tpu.memref_slice %arg9[%dma_wait3A_161, %dma_wait3A_167] : memref<4x128xi32, #tpu.memory_space<vmem>> -> memref<1x128xi32, #tpu.memory_space<vmem>>
    %dma_wait3A_169 = tpu.memref_squeeze %dma_wait3A_168 : memref<1x128xi32, #tpu.memory_space<vmem>> -> memref<128xi32, #tpu.memory_space<vmem>>
    %dma_wait3A_170 = arith.constant 0 : i32
    %dma_wait3A_171 = arith.constant 0 : i32
    %dma_wait3A_172 = tpu.memref_slice %arg5[%dma_wait3A_170, %dma_wait3A_171] : memref<1000000x64xf32, #tpu.memory_space<hbm>> -> memref<1000000x64xf32, #tpu.memory_space<hbm>>
    tpu.wait_indirect_dma semaphore(%arg13 : memref<!tpu.dma_semaphore, #tpu.memory_space<semaphore_mem>>) src(%dma_wait3A_172 : memref<1000000x64xf32, #tpu.memory_space<hbm>>) dst(%dma_wait3A_166 : memref<128x64xf32, #tpu.memory_space<vmem>>)
    %dma_wait3A_173 = arith.constant 3 : i32
    %dma_wait3A_174 = arith.constant 3 : i32
    %dma_wait3A_175 = arith.constant 0 : i32
    %dma_wait3A_176 = arith.constant 0 : i32
    %dma_wait3A_177 = tpu.memref_slice %arg10[%dma_wait3A_174, %dma_wait3A_175, %dma_wait3A_176] : memref<4x128x64xf32, #tpu.memory_space<vmem>> -> memref<1x128x64xf32, #tpu.memory_space<vmem>>
    %dma_wait3A_178 = tpu.memref_squeeze %dma_wait3A_177 : memref<1x128x64xf32, #tpu.memory_space<vmem>> -> memref<128x64xf32, #tpu.memory_space<vmem>>
    %dma_wait3A_179 = arith.constant 0 : i32
    %dma_wait3A_180 = tpu.memref_slice %arg8[%dma_wait3A_173, %dma_wait3A_179] : memref<4x128xi32, #tpu.memory_space<vmem>> -> memref<1x128xi32, #tpu.memory_space<vmem>>
    %dma_wait3A_181 = tpu.memref_squeeze %dma_wait3A_180 : memref<1x128xi32, #tpu.memory_space<vmem>> -> memref<128xi32, #tpu.memory_space<vmem>>
    %dma_wait3A_182 = arith.constant 0 : i32
    %dma_wait3A_183 = arith.constant 0 : i32
    %dma_wait3A_184 = tpu.memref_slice %arg4[%dma_wait3A_182, %dma_wait3A_183] : memref<1000000x64xf32, #tpu.memory_space<hbm>> -> memref<1000000x64xf32, #tpu.memory_space<hbm>>
    tpu.wait_indirect_dma semaphore(%arg12 : memref<!tpu.dma_semaphore, #tpu.memory_space<semaphore_mem>>) src(%dma_wait3A_184 : memref<1000000x64xf32, #tpu.memory_space<hbm>>) dst(%dma_wait3A_178 : memref<128x64xf32, #tpu.memory_space<vmem>>)
    %dma_wait3A_185 = arith.constant 3 : i32
    %dma_wait3A_186 = arith.constant 3 : i32
    %dma_wait3A_187 = arith.constant 0 : i32
    %dma_wait3A_188 = arith.constant 0 : i32
    %dma_wait3A_189 = tpu.memref_slice %arg11[%dma_wait3A_186, %dma_wait3A_187, %dma_wait3A_188] : memref<4x128x64xf32, #tpu.memory_space<vmem>> -> memref<1x128x64xf32, #tpu.memory_space<vmem>>
    %dma_wait3A_190 = tpu.memref_squeeze %dma_wait3A_189 : memref<1x128x64xf32, #tpu.memory_space<vmem>> -> memref<128x64xf32, #tpu.memory_space<vmem>>
    %dma_wait3A_191 = arith.constant 0 : i32
    %dma_wait3A_192 = tpu.memref_slice %arg9[%dma_wait3A_185, %dma_wait3A_191] : memref<4x128xi32, #tpu.memory_space<vmem>> -> memref<1x128xi32, #tpu.memory_space<vmem>>
    %dma_wait3A_193 = tpu.memref_squeeze %dma_wait3A_192 : memref<1x128xi32, #tpu.memory_space<vmem>> -> memref<128xi32, #tpu.memory_space<vmem>>
    %dma_wait3A_194 = arith.constant 0 : i32
    %dma_wait3A_195 = arith.constant 0 : i32
    %dma_wait3A_196 = tpu.memref_slice %arg5[%dma_wait3A_194, %dma_wait3A_195] : memref<1000000x64xf32, #tpu.memory_space<hbm>> -> memref<1000000x64xf32, #tpu.memory_space<hbm>>
    tpu.wait_indirect_dma semaphore(%arg13 : memref<!tpu.dma_semaphore, #tpu.memory_space<semaphore_mem>>) src(%dma_wait3A_196 : memref<1000000x64xf32, #tpu.memory_space<hbm>>) dst(%dma_wait3A_190 : memref<128x64xf32, #tpu.memory_space<vmem>>)
    %add3A_197 = arith.constant 0 : i32
    %add3A_198 = arith.addi %mul3A_2, %add3A_197 : i32
    %run_scoped3A = arith.constant 0 : i32
    "tpu.region"() ({
      %run_scoped3A_220 = tpu.sem_alloc : memref<!tpu.dma_semaphore, #tpu.memory_space<semaphore_mem>>
      %dma_start3A_221 = arith.constant 0 : i32
      %dma_start3A_222 = arith.constant 0 : i32
      %dma_start3A_223 = tpu.memref_slice %arg10[%run_scoped3A, %dma_start3A_221, %dma_start3A_222] : memref<4x128x64xf32, #tpu.memory_space<vmem>> -> memref<1x128x64xf32, #tpu.memory_space<vmem>>
      %dma_start3A_224 = tpu.memref_squeeze %dma_start3A_223 : memref<1x128x64xf32, #tpu.memory_space<vmem>> -> memref<128x64xf32, #tpu.memory_space<vmem>>
      %dma_start3A_225 = arith.constant 0 : i32
      %dma_start3A_226 = tpu.memref_slice %arg6[%add3A_198, %dma_start3A_225] : memref<16384x64xf32, #tpu.memory_space<hbm>> -> memref<128x64xf32, #tpu.memory_space<hbm>>
      %dma_start3A_227 = arith.constant 0 : i32
      %dma_start3A_228 = tpu.memref_slice %arg6[%add3A_198, %dma_start3A_227] : memref<16384x64xf32, #tpu.memory_space<hbm>> -> memref<128x64xf32, #tpu.memory_space<hbm>>
      %dma_start3A_229 = arith.constant 0 : i32
      %dma_start3A_230 = arith.constant 0 : i32
      %dma_start3A_231 = tpu.memref_slice %arg10[%run_scoped3A, %dma_start3A_229, %dma_start3A_230] : memref<4x128x64xf32, #tpu.memory_space<vmem>> -> memref<1x128x64xf32, #tpu.memory_space<vmem>>
      %dma_start3A_232 = tpu.memref_squeeze %dma_start3A_231 : memref<1x128x64xf32, #tpu.memory_space<vmem>> -> memref<128x64xf32, #tpu.memory_space<vmem>>
      tpu.enqueue_dma source(%dma_start3A_232 : memref<128x64xf32, #tpu.memory_space<vmem>>) target(%dma_start3A_228 : memref<128x64xf32, #tpu.memory_space<hbm>>) target_semaphore(%run_scoped3A_220 : memref<!tpu.dma_semaphore, #tpu.memory_space<semaphore_mem>>)
      %dma_wait3A_233 = arith.constant 0 : i32
      %dma_wait3A_234 = arith.constant 0 : i32
      %dma_wait3A_235 = tpu.memref_slice %arg10[%run_scoped3A, %dma_wait3A_233, %dma_wait3A_234] : memref<4x128x64xf32, #tpu.memory_space<vmem>> -> memref<1x128x64xf32, #tpu.memory_space<vmem>>
      %dma_wait3A_236 = tpu.memref_squeeze %dma_wait3A_235 : memref<1x128x64xf32, #tpu.memory_space<vmem>> -> memref<128x64xf32, #tpu.memory_space<vmem>>
      %dma_wait3A_237 = arith.constant 0 : i32
      %dma_wait3A_238 = tpu.memref_slice %arg6[%add3A_198, %dma_wait3A_237] : memref<16384x64xf32, #tpu.memory_space<hbm>> -> memref<128x64xf32, #tpu.memory_space<hbm>>
      %dma_wait3A_239 = arith.constant 0 : i32
      %dma_wait3A_240 = tpu.memref_slice %arg6[%add3A_198, %dma_wait3A_239] : memref<16384x64xf32, #tpu.memory_space<hbm>> -> memref<128x64xf32, #tpu.memory_space<hbm>>
      %dma_wait3A_241 = arith.constant 0 : i32
      %dma_wait3A_242 = arith.constant 0 : i32
      %dma_wait3A_243 = tpu.memref_slice %arg10[%run_scoped3A, %dma_wait3A_241, %dma_wait3A_242] : memref<4x128x64xf32, #tpu.memory_space<vmem>> -> memref<1x128x64xf32, #tpu.memory_space<vmem>>
      %dma_wait3A_244 = tpu.memref_squeeze %dma_wait3A_243 : memref<1x128x64xf32, #tpu.memory_space<vmem>> -> memref<128x64xf32, #tpu.memory_space<vmem>>
      tpu.wait_dma2 semaphore(%run_scoped3A_220 : memref<!tpu.dma_semaphore, #tpu.memory_space<semaphore_mem>>) src(%dma_wait3A_244 : memref<128x64xf32, #tpu.memory_space<vmem>>) dst(%dma_wait3A_240 : memref<128x64xf32, #tpu.memory_space<hbm>>)
      tpu.yield
    }) : () -> ()
    %add3A_199 = arith.constant 0 : i32
    %add3A_200 = arith.addi %mul3A_2, %add3A_199 : i32
    %run_scoped3A_201 = arith.constant 0 : i32
    "tpu.region"() ({
      %run_scoped3A_220 = tpu.sem_alloc : memref<!tpu.dma_semaphore, #tpu.memory_space<semaphore_mem>>
      %dma_start3A_221 = arith.constant 0 : i32
      %dma_start3A_222 = arith.constant 0 : i32
      %dma_start3A_223 = tpu.memref_slice %arg11[%run_scoped3A_201, %dma_start3A_221, %dma_start3A_222] : memref<4x128x64xf32, #tpu.memory_space<vmem>> -> memref<1x128x64xf32, #tpu.memory_space<vmem>>
      %dma_start3A_224 = tpu.memref_squeeze %dma_start3A_223 : memref<1x128x64xf32, #tpu.memory_space<vmem>> -> memref<128x64xf32, #tpu.memory_space<vmem>>
      %dma_start3A_225 = arith.constant 0 : i32
      %dma_start3A_226 = tpu.memref_slice %arg7[%add3A_200, %dma_start3A_225] : memref<16384x64xf32, #tpu.memory_space<hbm>> -> memref<128x64xf32, #tpu.memory_space<hbm>>
      %dma_start3A_227 = arith.constant 0 : i32
      %dma_start3A_228 = tpu.memref_slice %arg7[%add3A_200, %dma_start3A_227] : memref<16384x64xf32, #tpu.memory_space<hbm>> -> memref<128x64xf32, #tpu.memory_space<hbm>>
      %dma_start3A_229 = arith.constant 0 : i32
      %dma_start3A_230 = arith.constant 0 : i32
      %dma_start3A_231 = tpu.memref_slice %arg11[%run_scoped3A_201, %dma_start3A_229, %dma_start3A_230] : memref<4x128x64xf32, #tpu.memory_space<vmem>> -> memref<1x128x64xf32, #tpu.memory_space<vmem>>
      %dma_start3A_232 = tpu.memref_squeeze %dma_start3A_231 : memref<1x128x64xf32, #tpu.memory_space<vmem>> -> memref<128x64xf32, #tpu.memory_space<vmem>>
      tpu.enqueue_dma source(%dma_start3A_232 : memref<128x64xf32, #tpu.memory_space<vmem>>) target(%dma_start3A_228 : memref<128x64xf32, #tpu.memory_space<hbm>>) target_semaphore(%run_scoped3A_220 : memref<!tpu.dma_semaphore, #tpu.memory_space<semaphore_mem>>)
      %dma_wait3A_233 = arith.constant 0 : i32
      %dma_wait3A_234 = arith.constant 0 : i32
      %dma_wait3A_235 = tpu.memref_slice %arg11[%run_scoped3A_201, %dma_wait3A_233, %dma_wait3A_234] : memref<4x128x64xf32, #tpu.memory_space<vmem>> -> memref<1x128x64xf32, #tpu.memory_space<vmem>>
      %dma_wait3A_236 = tpu.memref_squeeze %dma_wait3A_235 : memref<1x128x64xf32, #tpu.memory_space<vmem>> -> memref<128x64xf32, #tpu.memory_space<vmem>>
      %dma_wait3A_237 = arith.constant 0 : i32
      %dma_wait3A_238 = tpu.memref_slice %arg7[%add3A_200, %dma_wait3A_237] : memref<16384x64xf32, #tpu.memory_space<hbm>> -> memref<128x64xf32, #tpu.memory_space<hbm>>
      %dma_wait3A_239 = arith.constant 0 : i32
      %dma_wait3A_240 = tpu.memref_slice %arg7[%add3A_200, %dma_wait3A_239] : memref<16384x64xf32, #tpu.memory_space<hbm>> -> memref<128x64xf32, #tpu.memory_space<hbm>>
      %dma_wait3A_241 = arith.constant 0 : i32
      %dma_wait3A_242 = arith.constant 0 : i32
      %dma_wait3A_243 = tpu.memref_slice %arg11[%run_scoped3A_201, %dma_wait3A_241, %dma_wait3A_242] : memref<4x128x64xf32, #tpu.memory_space<vmem>> -> memref<1x128x64xf32, #tpu.memory_space<vmem>>
      %dma_wait3A_244 = tpu.memref_squeeze %dma_wait3A_243 : memref<1x128x64xf32, #tpu.memory_space<vmem>> -> memref<128x64xf32, #tpu.memory_space<vmem>>
      tpu.wait_dma2 semaphore(%run_scoped3A_220 : memref<!tpu.dma_semaphore, #tpu.memory_space<semaphore_mem>>) src(%dma_wait3A_244 : memref<128x64xf32, #tpu.memory_space<vmem>>) dst(%dma_wait3A_240 : memref<128x64xf32, #tpu.memory_space<hbm>>)
      tpu.yield
    }) : () -> ()
    %add3A_202 = arith.constant 128 : i32
    %add3A_203 = arith.addi %mul3A_2, %add3A_202 : i32
    %run_scoped3A_204 = arith.constant 1 : i32
    "tpu.region"() ({
      %run_scoped3A_220 = tpu.sem_alloc : memref<!tpu.dma_semaphore, #tpu.memory_space<semaphore_mem>>
      %dma_start3A_221 = arith.constant 0 : i32
      %dma_start3A_222 = arith.constant 0 : i32
      %dma_start3A_223 = tpu.memref_slice %arg10[%run_scoped3A_204, %dma_start3A_221, %dma_start3A_222] : memref<4x128x64xf32, #tpu.memory_space<vmem>> -> memref<1x128x64xf32, #tpu.memory_space<vmem>>
      %dma_start3A_224 = tpu.memref_squeeze %dma_start3A_223 : memref<1x128x64xf32, #tpu.memory_space<vmem>> -> memref<128x64xf32, #tpu.memory_space<vmem>>
      %dma_start3A_225 = arith.constant 0 : i32
      %dma_start3A_226 = tpu.memref_slice %arg6[%add3A_203, %dma_start3A_225] : memref<16384x64xf32, #tpu.memory_space<hbm>> -> memref<128x64xf32, #tpu.memory_space<hbm>>
      %dma_start3A_227 = arith.constant 0 : i32
      %dma_start3A_228 = tpu.memref_slice %arg6[%add3A_203, %dma_start3A_227] : memref<16384x64xf32, #tpu.memory_space<hbm>> -> memref<128x64xf32, #tpu.memory_space<hbm>>
      %dma_start3A_229 = arith.constant 0 : i32
      %dma_start3A_230 = arith.constant 0 : i32
      %dma_start3A_231 = tpu.memref_slice %arg10[%run_scoped3A_204, %dma_start3A_229, %dma_start3A_230] : memref<4x128x64xf32, #tpu.memory_space<vmem>> -> memref<1x128x64xf32, #tpu.memory_space<vmem>>
      %dma_start3A_232 = tpu.memref_squeeze %dma_start3A_231 : memref<1x128x64xf32, #tpu.memory_space<vmem>> -> memref<128x64xf32, #tpu.memory_space<vmem>>
      tpu.enqueue_dma source(%dma_start3A_232 : memref<128x64xf32, #tpu.memory_space<vmem>>) target(%dma_start3A_228 : memref<128x64xf32, #tpu.memory_space<hbm>>) target_semaphore(%run_scoped3A_220 : memref<!tpu.dma_semaphore, #tpu.memory_space<semaphore_mem>>)
      %dma_wait3A_233 = arith.constant 0 : i32
      %dma_wait3A_234 = arith.constant 0 : i32
      %dma_wait3A_235 = tpu.memref_slice %arg10[%run_scoped3A_204, %dma_wait3A_233, %dma_wait3A_234] : memref<4x128x64xf32, #tpu.memory_space<vmem>> -> memref<1x128x64xf32, #tpu.memory_space<vmem>>
      %dma_wait3A_236 = tpu.memref_squeeze %dma_wait3A_235 : memref<1x128x64xf32, #tpu.memory_space<vmem>> -> memref<128x64xf32, #tpu.memory_space<vmem>>
      %dma_wait3A_237 = arith.constant 0 : i32
      %dma_wait3A_238 = tpu.memref_slice %arg6[%add3A_203, %dma_wait3A_237] : memref<16384x64xf32, #tpu.memory_space<hbm>> -> memref<128x64xf32, #tpu.memory_space<hbm>>
      %dma_wait3A_239 = arith.constant 0 : i32
      %dma_wait3A_240 = tpu.memref_slice %arg6[%add3A_203, %dma_wait3A_239] : memref<16384x64xf32, #tpu.memory_space<hbm>> -> memref<128x64xf32, #tpu.memory_space<hbm>>
      %dma_wait3A_241 = arith.constant 0 : i32
      %dma_wait3A_242 = arith.constant 0 : i32
      %dma_wait3A_243 = tpu.memref_slice %arg10[%run_scoped3A_204, %dma_wait3A_241, %dma_wait3A_242] : memref<4x128x64xf32, #tpu.memory_space<vmem>> -> memref<1x128x64xf32, #tpu.memory_space<vmem>>
      %dma_wait3A_244 = tpu.memref_squeeze %dma_wait3A_243 : memref<1x128x64xf32, #tpu.memory_space<vmem>> -> memref<128x64xf32, #tpu.memory_space<vmem>>
      tpu.wait_dma2 semaphore(%run_scoped3A_220 : memref<!tpu.dma_semaphore, #tpu.memory_space<semaphore_mem>>) src(%dma_wait3A_244 : memref<128x64xf32, #tpu.memory_space<vmem>>) dst(%dma_wait3A_240 : memref<128x64xf32, #tpu.memory_space<hbm>>)
      tpu.yield
    }) : () -> ()
    %add3A_205 = arith.constant 128 : i32
    %add3A_206 = arith.addi %mul3A_2, %add3A_205 : i32
    %run_scoped3A_207 = arith.constant 1 : i32
    "tpu.region"() ({
      %run_scoped3A_220 = tpu.sem_alloc : memref<!tpu.dma_semaphore, #tpu.memory_space<semaphore_mem>>
      %dma_start3A_221 = arith.constant 0 : i32
      %dma_start3A_222 = arith.constant 0 : i32
      %dma_start3A_223 = tpu.memref_slice %arg11[%run_scoped3A_207, %dma_start3A_221, %dma_start3A_222] : memref<4x128x64xf32, #tpu.memory_space<vmem>> -> memref<1x128x64xf32, #tpu.memory_space<vmem>>
      %dma_start3A_224 = tpu.memref_squeeze %dma_start3A_223 : memref<1x128x64xf32, #tpu.memory_space<vmem>> -> memref<128x64xf32, #tpu.memory_space<vmem>>
      %dma_start3A_225 = arith.constant 0 : i32
      %dma_start3A_226 = tpu.memref_slice %arg7[%add3A_206, %dma_start3A_225] : memref<16384x64xf32, #tpu.memory_space<hbm>> -> memref<128x64xf32, #tpu.memory_space<hbm>>
      %dma_start3A_227 = arith.constant 0 : i32
      %dma_start3A_228 = tpu.memref_slice %arg7[%add3A_206, %dma_start3A_227] : memref<16384x64xf32, #tpu.memory_space<hbm>> -> memref<128x64xf32, #tpu.memory_space<hbm>>
      %dma_start3A_229 = arith.constant 0 : i32
      %dma_start3A_230 = arith.constant 0 : i32
      %dma_start3A_231 = tpu.memref_slice %arg11[%run_scoped3A_207, %dma_start3A_229, %dma_start3A_230] : memref<4x128x64xf32, #tpu.memory_space<vmem>> -> memref<1x128x64xf32, #tpu.memory_space<vmem>>
      %dma_start3A_232 = tpu.memref_squeeze %dma_start3A_231 : memref<1x128x64xf32, #tpu.memory_space<vmem>> -> memref<128x64xf32, #tpu.memory_space<vmem>>
      tpu.enqueue_dma source(%dma_start3A_232 : memref<128x64xf32, #tpu.memory_space<vmem>>) target(%dma_start3A_228 : memref<128x64xf32, #tpu.memory_space<hbm>>) target_semaphore(%run_scoped3A_220 : memref<!tpu.dma_semaphore, #tpu.memory_space<semaphore_mem>>)
      %dma_wait3A_233 = arith.constant 0 : i32
      %dma_wait3A_234 = arith.constant 0 : i32
      %dma_wait3A_235 = tpu.memref_slice %arg11[%run_scoped3A_207, %dma_wait3A_233, %dma_wait3A_234] : memref<4x128x64xf32, #tpu.memory_space<vmem>> -> memref<1x128x64xf32, #tpu.memory_space<vmem>>
      %dma_wait3A_236 = tpu.memref_squeeze %dma_wait3A_235 : memref<1x128x64xf32, #tpu.memory_space<vmem>> -> memref<128x64xf32, #tpu.memory_space<vmem>>
      %dma_wait3A_237 = arith.constant 0 : i32
      %dma_wait3A_238 = tpu.memref_slice %arg7[%add3A_206, %dma_wait3A_237] : memref<16384x64xf32, #tpu.memory_space<hbm>> -> memref<128x64xf32, #tpu.memory_space<hbm>>
      %dma_wait3A_239 = arith.constant 0 : i32
      %dma_wait3A_240 = tpu.memref_slice %arg7[%add3A_206, %dma_wait3A_239] : memref<16384x64xf32, #tpu.memory_space<hbm>> -> memref<128x64xf32, #tpu.memory_space<hbm>>
      %dma_wait3A_241 = arith.constant 0 : i32
      %dma_wait3A_242 = arith.constant 0 : i32
      %dma_wait3A_243 = tpu.memref_slice %arg11[%run_scoped3A_207, %dma_wait3A_241, %dma_wait3A_242] : memref<4x128x64xf32, #tpu.memory_space<vmem>> -> memref<1x128x64xf32, #tpu.memory_space<vmem>>
      %dma_wait3A_244 = tpu.memref_squeeze %dma_wait3A_243 : memref<1x128x64xf32, #tpu.memory_space<vmem>> -> memref<128x64xf32, #tpu.memory_space<vmem>>
      tpu.wait_dma2 semaphore(%run_scoped3A_220 : memref<!tpu.dma_semaphore, #tpu.memory_space<semaphore_mem>>) src(%dma_wait3A_244 : memref<128x64xf32, #tpu.memory_space<vmem>>) dst(%dma_wait3A_240 : memref<128x64xf32, #tpu.memory_space<hbm>>)
      tpu.yield
    }) : () -> ()
    %add3A_208 = arith.constant 256 : i32
    %add3A_209 = arith.addi %mul3A_2, %add3A_208 : i32
    %run_scoped3A_210 = arith.constant 2 : i32
    "tpu.region"() ({
      %run_scoped3A_220 = tpu.sem_alloc : memref<!tpu.dma_semaphore, #tpu.memory_space<semaphore_mem>>
      %dma_start3A_221 = arith.constant 0 : i32
      %dma_start3A_222 = arith.constant 0 : i32
      %dma_start3A_223 = tpu.memref_slice %arg10[%run_scoped3A_210, %dma_start3A_221, %dma_start3A_222] : memref<4x128x64xf32, #tpu.memory_space<vmem>> -> memref<1x128x64xf32, #tpu.memory_space<vmem>>
      %dma_start3A_224 = tpu.memref_squeeze %dma_start3A_223 : memref<1x128x64xf32, #tpu.memory_space<vmem>> -> memref<128x64xf32, #tpu.memory_space<vmem>>
      %dma_start3A_225 = arith.constant 0 : i32
      %dma_start3A_226 = tpu.memref_slice %arg6[%add3A_209, %dma_start3A_225] : memref<16384x64xf32, #tpu.memory_space<hbm>> -> memref<128x64xf32, #tpu.memory_space<hbm>>
      %dma_start3A_227 = arith.constant 0 : i32
      %dma_start3A_228 = tpu.memref_slice %arg6[%add3A_209, %dma_start3A_227] : memref<16384x64xf32, #tpu.memory_space<hbm>> -> memref<128x64xf32, #tpu.memory_space<hbm>>
      %dma_start3A_229 = arith.constant 0 : i32
      %dma_start3A_230 = arith.constant 0 : i32
      %dma_start3A_231 = tpu.memref_slice %arg10[%run_scoped3A_210, %dma_start3A_229, %dma_start3A_230] : memref<4x128x64xf32, #tpu.memory_space<vmem>> -> memref<1x128x64xf32, #tpu.memory_space<vmem>>
      %dma_start3A_232 = tpu.memref_squeeze %dma_start3A_231 : memref<1x128x64xf32, #tpu.memory_space<vmem>> -> memref<128x64xf32, #tpu.memory_space<vmem>>
      tpu.enqueue_dma source(%dma_start3A_232 : memref<128x64xf32, #tpu.memory_space<vmem>>) target(%dma_start3A_228 : memref<128x64xf32, #tpu.memory_space<hbm>>) target_semaphore(%run_scoped3A_220 : memref<!tpu.dma_semaphore, #tpu.memory_space<semaphore_mem>>)
      %dma_wait3A_233 = arith.constant 0 : i32
      %dma_wait3A_234 = arith.constant 0 : i32
      %dma_wait3A_235 = tpu.memref_slice %arg10[%run_scoped3A_210, %dma_wait3A_233, %dma_wait3A_234] : memref<4x128x64xf32, #tpu.memory_space<vmem>> -> memref<1x128x64xf32, #tpu.memory_space<vmem>>
      %dma_wait3A_236 = tpu.memref_squeeze %dma_wait3A_235 : memref<1x128x64xf32, #tpu.memory_space<vmem>> -> memref<128x64xf32, #tpu.memory_space<vmem>>
      %dma_wait3A_237 = arith.constant 0 : i32
      %dma_wait3A_238 = tpu.memref_slice %arg6[%add3A_209, %dma_wait3A_237] : memref<16384x64xf32, #tpu.memory_space<hbm>> -> memref<128x64xf32, #tpu.memory_space<hbm>>
      %dma_wait3A_239 = arith.constant 0 : i32
      %dma_wait3A_240 = tpu.memref_slice %arg6[%add3A_209, %dma_wait3A_239] : memref<16384x64xf32, #tpu.memory_space<hbm>> -> memref<128x64xf32, #tpu.memory_space<hbm>>
      %dma_wait3A_241 = arith.constant 0 : i32
      %dma_wait3A_242 = arith.constant 0 : i32
      %dma_wait3A_243 = tpu.memref_slice %arg10[%run_scoped3A_210, %dma_wait3A_241, %dma_wait3A_242] : memref<4x128x64xf32, #tpu.memory_space<vmem>> -> memref<1x128x64xf32, #tpu.memory_space<vmem>>
      %dma_wait3A_244 = tpu.memref_squeeze %dma_wait3A_243 : memref<1x128x64xf32, #tpu.memory_space<vmem>> -> memref<128x64xf32, #tpu.memory_space<vmem>>
      tpu.wait_dma2 semaphore(%run_scoped3A_220 : memref<!tpu.dma_semaphore, #tpu.memory_space<semaphore_mem>>) src(%dma_wait3A_244 : memref<128x64xf32, #tpu.memory_space<vmem>>) dst(%dma_wait3A_240 : memref<128x64xf32, #tpu.memory_space<hbm>>)
      tpu.yield
    }) : () -> ()
    %add3A_211 = arith.constant 256 : i32
    %add3A_212 = arith.addi %mul3A_2, %add3A_211 : i32
    %run_scoped3A_213 = arith.constant 2 : i32
    "tpu.region"() ({
      %run_scoped3A_220 = tpu.sem_alloc : memref<!tpu.dma_semaphore, #tpu.memory_space<semaphore_mem>>
      %dma_start3A_221 = arith.constant 0 : i32
      %dma_start3A_222 = arith.constant 0 : i32
      %dma_start3A_223 = tpu.memref_slice %arg11[%run_scoped3A_213, %dma_start3A_221, %dma_start3A_222] : memref<4x128x64xf32, #tpu.memory_space<vmem>> -> memref<1x128x64xf32, #tpu.memory_space<vmem>>
      %dma_start3A_224 = tpu.memref_squeeze %dma_start3A_223 : memref<1x128x64xf32, #tpu.memory_space<vmem>> -> memref<128x64xf32, #tpu.memory_space<vmem>>
      %dma_start3A_225 = arith.constant 0 : i32
      %dma_start3A_226 = tpu.memref_slice %arg7[%add3A_212, %dma_start3A_225] : memref<16384x64xf32, #tpu.memory_space<hbm>> -> memref<128x64xf32, #tpu.memory_space<hbm>>
      %dma_start3A_227 = arith.constant 0 : i32
      %dma_start3A_228 = tpu.memref_slice %arg7[%add3A_212, %dma_start3A_227] : memref<16384x64xf32, #tpu.memory_space<hbm>> -> memref<128x64xf32, #tpu.memory_space<hbm>>
      %dma_start3A_229 = arith.constant 0 : i32
      %dma_start3A_230 = arith.constant 0 : i32
      %dma_start3A_231 = tpu.memref_slice %arg11[%run_scoped3A_213, %dma_start3A_229, %dma_start3A_230] : memref<4x128x64xf32, #tpu.memory_space<vmem>> -> memref<1x128x64xf32, #tpu.memory_space<vmem>>
      %dma_start3A_232 = tpu.memref_squeeze %dma_start3A_231 : memref<1x128x64xf32, #tpu.memory_space<vmem>> -> memref<128x64xf32, #tpu.memory_space<vmem>>
      tpu.enqueue_dma source(%dma_start3A_232 : memref<128x64xf32, #tpu.memory_space<vmem>>) target(%dma_start3A_228 : memref<128x64xf32, #tpu.memory_space<hbm>>) target_semaphore(%run_scoped3A_220 : memref<!tpu.dma_semaphore, #tpu.memory_space<semaphore_mem>>)
      %dma_wait3A_233 = arith.constant 0 : i32
      %dma_wait3A_234 = arith.constant 0 : i32
      %dma_wait3A_235 = tpu.memref_slice %arg11[%run_scoped3A_213, %dma_wait3A_233, %dma_wait3A_234] : memref<4x128x64xf32, #tpu.memory_space<vmem>> -> memref<1x128x64xf32, #tpu.memory_space<vmem>>
      %dma_wait3A_236 = tpu.memref_squeeze %dma_wait3A_235 : memref<1x128x64xf32, #tpu.memory_space<vmem>> -> memref<128x64xf32, #tpu.memory_space<vmem>>
      %dma_wait3A_237 = arith.constant 0 : i32
      %dma_wait3A_238 = tpu.memref_slice %arg7[%add3A_212, %dma_wait3A_237] : memref<16384x64xf32, #tpu.memory_space<hbm>> -> memref<128x64xf32, #tpu.memory_space<hbm>>
      %dma_wait3A_239 = arith.constant 0 : i32
      %dma_wait3A_240 = tpu.memref_slice %arg7[%add3A_212, %dma_wait3A_239] : memref<16384x64xf32, #tpu.memory_space<hbm>> -> memref<128x64xf32, #tpu.memory_space<hbm>>
      %dma_wait3A_241 = arith.constant 0 : i32
      %dma_wait3A_242 = arith.constant 0 : i32
      %dma_wait3A_243 = tpu.memref_slice %arg11[%run_scoped3A_213, %dma_wait3A_241, %dma_wait3A_242] : memref<4x128x64xf32, #tpu.memory_space<vmem>> -> memref<1x128x64xf32, #tpu.memory_space<vmem>>
      %dma_wait3A_244 = tpu.memref_squeeze %dma_wait3A_243 : memref<1x128x64xf32, #tpu.memory_space<vmem>> -> memref<128x64xf32, #tpu.memory_space<vmem>>
      tpu.wait_dma2 semaphore(%run_scoped3A_220 : memref<!tpu.dma_semaphore, #tpu.memory_space<semaphore_mem>>) src(%dma_wait3A_244 : memref<128x64xf32, #tpu.memory_space<vmem>>) dst(%dma_wait3A_240 : memref<128x64xf32, #tpu.memory_space<hbm>>)
      tpu.yield
    }) : () -> ()
    %add3A_214 = arith.constant 384 : i32
    %add3A_215 = arith.addi %mul3A_2, %add3A_214 : i32
    %run_scoped3A_216 = arith.constant 3 : i32
    "tpu.region"() ({
      %run_scoped3A_220 = tpu.sem_alloc : memref<!tpu.dma_semaphore, #tpu.memory_space<semaphore_mem>>
      %dma_start3A_221 = arith.constant 0 : i32
      %dma_start3A_222 = arith.constant 0 : i32
      %dma_start3A_223 = tpu.memref_slice %arg10[%run_scoped3A_216, %dma_start3A_221, %dma_start3A_222] : memref<4x128x64xf32, #tpu.memory_space<vmem>> -> memref<1x128x64xf32, #tpu.memory_space<vmem>>
      %dma_start3A_224 = tpu.memref_squeeze %dma_start3A_223 : memref<1x128x64xf32, #tpu.memory_space<vmem>> -> memref<128x64xf32, #tpu.memory_space<vmem>>
      %dma_start3A_225 = arith.constant 0 : i32
      %dma_start3A_226 = tpu.memref_slice %arg6[%add3A_215, %dma_start3A_225] : memref<16384x64xf32, #tpu.memory_space<hbm>> -> memref<128x64xf32, #tpu.memory_space<hbm>>
      %dma_start3A_227 = arith.constant 0 : i32
      %dma_start3A_228 = tpu.memref_slice %arg6[%add3A_215, %dma_start3A_227] : memref<16384x64xf32, #tpu.memory_space<hbm>> -> memref<128x64xf32, #tpu.memory_space<hbm>>
      %dma_start3A_229 = arith.constant 0 : i32
      %dma_start3A_230 = arith.constant 0 : i32
      %dma_start3A_231 = tpu.memref_slice %arg10[%run_scoped3A_216, %dma_start3A_229, %dma_start3A_230] : memref<4x128x64xf32, #tpu.memory_space<vmem>> -> memref<1x128x64xf32, #tpu.memory_space<vmem>>
      %dma_start3A_232 = tpu.memref_squeeze %dma_start3A_231 : memref<1x128x64xf32, #tpu.memory_space<vmem>> -> memref<128x64xf32, #tpu.memory_space<vmem>>
      tpu.enqueue_dma source(%dma_start3A_232 : memref<128x64xf32, #tpu.memory_space<vmem>>) target(%dma_start3A_228 : memref<128x64xf32, #tpu.memory_space<hbm>>) target_semaphore(%run_scoped3A_220 : memref<!tpu.dma_semaphore, #tpu.memory_space<semaphore_mem>>)
      %dma_wait3A_233 = arith.constant 0 : i32
      %dma_wait3A_234 = arith.constant 0 : i32
      %dma_wait3A_235 = tpu.memref_slice %arg10[%run_scoped3A_216, %dma_wait3A_233, %dma_wait3A_234] : memref<4x128x64xf32, #tpu.memory_space<vmem>> -> memref<1x128x64xf32, #tpu.memory_space<vmem>>
      %dma_wait3A_236 = tpu.memref_squeeze %dma_wait3A_235 : memref<1x128x64xf32, #tpu.memory_space<vmem>> -> memref<128x64xf32, #tpu.memory_space<vmem>>
      %dma_wait3A_237 = arith.constant 0 : i32
      %dma_wait3A_238 = tpu.memref_slice %arg6[%add3A_215, %dma_wait3A_237] : memref<16384x64xf32, #tpu.memory_space<hbm>> -> memref<128x64xf32, #tpu.memory_space<hbm>>
      %dma_wait3A_239 = arith.constant 0 : i32
      %dma_wait3A_240 = tpu.memref_slice %arg6[%add3A_215, %dma_wait3A_239] : memref<16384x64xf32, #tpu.memory_space<hbm>> -> memref<128x64xf32, #tpu.memory_space<hbm>>
      %dma_wait3A_241 = arith.constant 0 : i32
      %dma_wait3A_242 = arith.constant 0 : i32
      %dma_wait3A_243 = tpu.memref_slice %arg10[%run_scoped3A_216, %dma_wait3A_241, %dma_wait3A_242] : memref<4x128x64xf32, #tpu.memory_space<vmem>> -> memref<1x128x64xf32, #tpu.memory_space<vmem>>
      %dma_wait3A_244 = tpu.memref_squeeze %dma_wait3A_243 : memref<1x128x64xf32, #tpu.memory_space<vmem>> -> memref<128x64xf32, #tpu.memory_space<vmem>>
      tpu.wait_dma2 semaphore(%run_scoped3A_220 : memref<!tpu.dma_semaphore, #tpu.memory_space<semaphore_mem>>) src(%dma_wait3A_244 : memref<128x64xf32, #tpu.memory_space<vmem>>) dst(%dma_wait3A_240 : memref<128x64xf32, #tpu.memory_space<hbm>>)
      tpu.yield
    }) : () -> ()
    %add3A_217 = arith.constant 384 : i32
    %add3A_218 = arith.addi %mul3A_2, %add3A_217 : i32
    %run_scoped3A_219 = arith.constant 3 : i32
    "tpu.region"() ({
      %run_scoped3A_220 = tpu.sem_alloc : memref<!tpu.dma_semaphore, #tpu.memory_space<semaphore_mem>>
      %dma_start3A_221 = arith.constant 0 : i32
      %dma_start3A_222 = arith.constant 0 : i32
      %dma_start3A_223 = tpu.memref_slice %arg11[%run_scoped3A_219, %dma_start3A_221, %dma_start3A_222] : memref<4x128x64xf32, #tpu.memory_space<vmem>> -> memref<1x128x64xf32, #tpu.memory_space<vmem>>
      %dma_start3A_224 = tpu.memref_squeeze %dma_start3A_223 : memref<1x128x64xf32, #tpu.memory_space<vmem>> -> memref<128x64xf32, #tpu.memory_space<vmem>>
      %dma_start3A_225 = arith.constant 0 : i32
      %dma_start3A_226 = tpu.memref_slice %arg7[%add3A_218, %dma_start3A_225] : memref<16384x64xf32, #tpu.memory_space<hbm>> -> memref<128x64xf32, #tpu.memory_space<hbm>>
      %dma_start3A_227 = arith.constant 0 : i32
      %dma_start3A_228 = tpu.memref_slice %arg7[%add3A_218, %dma_start3A_227] : memref<16384x64xf32, #tpu.memory_space<hbm>> -> memref<128x64xf32, #tpu.memory_space<hbm>>
      %dma_start3A_229 = arith.constant 0 : i32
      %dma_start3A_230 = arith.constant 0 : i32
      %dma_start3A_231 = tpu.memref_slice %arg11[%run_scoped3A_219, %dma_start3A_229, %dma_start3A_230] : memref<4x128x64xf32, #tpu.memory_space<vmem>> -> memref<1x128x64xf32, #tpu.memory_space<vmem>>
      %dma_start3A_232 = tpu.memref_squeeze %dma_start3A_231 : memref<1x128x64xf32, #tpu.memory_space<vmem>> -> memref<128x64xf32, #tpu.memory_space<vmem>>
      tpu.enqueue_dma source(%dma_start3A_232 : memref<128x64xf32, #tpu.memory_space<vmem>>) target(%dma_start3A_228 : memref<128x64xf32, #tpu.memory_space<hbm>>) target_semaphore(%run_scoped3A_220 : memref<!tpu.dma_semaphore, #tpu.memory_space<semaphore_mem>>)
      %dma_wait3A_233 = arith.constant 0 : i32
      %dma_wait3A_234 = arith.constant 0 : i32
      %dma_wait3A_235 = tpu.memref_slice %arg11[%run_scoped3A_219, %dma_wait3A_233, %dma_wait3A_234] : memref<4x128x64xf32, #tpu.memory_space<vmem>> -> memref<1x128x64xf32, #tpu.memory_space<vmem>>
      %dma_wait3A_236 = tpu.memref_squeeze %dma_wait3A_235 : memref<1x128x64xf32, #tpu.memory_space<vmem>> -> memref<128x64xf32, #tpu.memory_space<vmem>>
      %dma_wait3A_237 = arith.constant 0 : i32
      %dma_wait3A_238 = tpu.memref_slice %arg7[%add3A_218, %dma_wait3A_237] : memref<16384x64xf32, #tpu.memory_space<hbm>> -> memref<128x64xf32, #tpu.memory_space<hbm>>
      %dma_wait3A_239 = arith.constant 0 : i32
      %dma_wait3A_240 = tpu.memref_slice %arg7[%add3A_218, %dma_wait3A_239] : memref<16384x64xf32, #tpu.memory_space<hbm>> -> memref<128x64xf32, #tpu.memory_space<hbm>>
      %dma_wait3A_241 = arith.constant 0 : i32
      %dma_wait3A_242 = arith.constant 0 : i32
      %dma_wait3A_243 = tpu.memref_slice %arg11[%run_scoped3A_219, %dma_wait3A_241, %dma_wait3A_242] : memref<4x128x64xf32, #tpu.memory_space<vmem>> -> memref<1x128x64xf32, #tpu.memory_space<vmem>>
      %dma_wait3A_244 = tpu.memref_squeeze %dma_wait3A_243 : memref<1x128x64xf32, #tpu.memory_space<vmem>> -> memref<128x64xf32, #tpu.memory_space<vmem>>
      tpu.wait_dma2 semaphore(%run_scoped3A_220 : memref<!tpu.dma_semaphore, #tpu.memory_space<semaphore_mem>>) src(%dma_wait3A_244 : memref<128x64xf32, #tpu.memory_space<vmem>>) dst(%dma_wait3A_240 : memref<128x64xf32, #tpu.memory_space<hbm>>)
      tpu.yield
    }) : () -> ()
    return
  }
}

module attributes {stable_mosaic.version = 14 : i64} {
  func.func @_mlp_body(%arg0: i32, %arg1: memref<2048x64xf32, #tpu.memory_space<vmem>>, %arg2: memref<2048x64xf32, #tpu.memory_space<vmem>>, %arg3: memref<256x128xf32, #tpu.memory_space<vmem>>, %arg4: memref<1x256xf32, #tpu.memory_space<vmem>>, %arg5: memref<128x256xf32, #tpu.memory_space<vmem>>, %arg6: memref<1x128xf32, #tpu.memory_space<vmem>>, %arg7: memref<64x128xf32, #tpu.memory_space<vmem>>, %arg8: memref<1x64xf32, #tpu.memory_space<vmem>>, %arg9: memref<1x64xf32, #tpu.memory_space<vmem>>, %arg10: memref<1xf32, #tpu.memory_space<smem>>, %arg11: memref<2048xf32, #tpu.memory_space<vmem>>) attributes {dimension_semantics = [#tpu.dimension_semantics<arbitrary>], iteration_bounds = array<i64: 8>, scalar_prefetch = 0 : i64, scratch_operands = 0 : i64, tpu.core_type = #tpu.core_type<tc>, window_params = [{transform_indices = @transform_0, window_bounds = array<i64: 2048, 64>}, {transform_indices = @transform_1, window_bounds = array<i64: 2048, 64>}, {pipeline_mode = #tpu.pipeline_mode<synchronous>, transform_indices = @transform_2, window_bounds = array<i64: 256, 128>}, {pipeline_mode = #tpu.pipeline_mode<synchronous>, transform_indices = @transform_3, window_bounds = array<i64: 1, 256>}, {pipeline_mode = #tpu.pipeline_mode<synchronous>, transform_indices = @transform_4, window_bounds = array<i64: 128, 256>}, {pipeline_mode = #tpu.pipeline_mode<synchronous>, transform_indices = @transform_5, window_bounds = array<i64: 1, 128>}, {pipeline_mode = #tpu.pipeline_mode<synchronous>, transform_indices = @transform_6, window_bounds = array<i64: 64, 128>}, {pipeline_mode = #tpu.pipeline_mode<synchronous>, transform_indices = @transform_7, window_bounds = array<i64: 1, 64>}, {pipeline_mode = #tpu.pipeline_mode<synchronous>, transform_indices = @transform_8, window_bounds = array<i64: 1, 64>}, {transform_indices = @transform_9, window_bounds = array<i64: 1>}, {transform_indices = @transform_10, window_bounds = array<i64: 2048>}]} {
    %get3A = arith.constant 0 : index
    %get3A_0 = arith.constant 0 : index
    %get3A_1 = vector.load %arg1[%get3A, %get3A_0] : memref<2048x64xf32, #tpu.memory_space<vmem>>, vector<2048x64xf32>
    %get3A_2 = arith.constant 0 : index
    %get3A_3 = arith.constant 0 : index
    %get3A_4 = vector.load %arg2[%get3A_2, %get3A_3] : memref<2048x64xf32, #tpu.memory_space<vmem>>, vector<2048x64xf32>
    %concatenate3A = tpu.concatenate %get3A_1, %get3A_4 in 1 : vector<2048x64xf32>, vector<2048x64xf32> -> vector<2048x128xf32>
    %get3A_5 = arith.constant 0 : index
    %get3A_6 = arith.constant 0 : index
    %get3A_7 = vector.load %arg3[%get3A_5, %get3A_6] : memref<256x128xf32, #tpu.memory_space<vmem>>, vector<256x128xf32>
    %dot_general3A = arith.constant dense<0.000000e+00> : vector<2048x256xf32>
    %dot_general3A_8 = tpu.matmul %concatenate3A, %get3A_7, %dot_general3A {dimension_numbers = #tpu.dot_dimension_numbers<[1], [1], [0], [0], [0, 0, 1, 0], [], []>, transpose_lhs_hint = false} : vector<2048x128xf32>, vector<256x128xf32>, vector<2048x256xf32> -> vector<2048x256xf32>
    %get3A_9 = arith.constant 0 : index
    %get3A_10 = arith.constant 0 : index
    %get3A_11 = vector.load %arg4[%get3A_9, %get3A_10] : memref<1x256xf32, #tpu.memory_space<vmem>>, vector<1x256xf32>
    %add3A = vector.broadcast %get3A_11 : vector<1x256xf32> to vector<2048x256xf32>
    %add3A_12 = arith.addf %dot_general3A_8, %add3A : vector<2048x256xf32>
    %max3A = arith.constant 0.000000e+00 : f32
    %max3A_13 = vector.broadcast %max3A : f32 to vector<2048x256xf32>
    %max3A_14 = arith.maximumf %add3A_12, %max3A_13 : vector<2048x256xf32>
    %get3A_15 = arith.constant 0 : index
    %get3A_16 = arith.constant 0 : index
    %get3A_17 = vector.load %arg5[%get3A_15, %get3A_16] : memref<128x256xf32, #tpu.memory_space<vmem>>, vector<128x256xf32>
    %dot_general3A_18 = arith.constant dense<0.000000e+00> : vector<2048x128xf32>
    %dot_general3A_19 = tpu.matmul %max3A_14, %get3A_17, %dot_general3A_18 {dimension_numbers = #tpu.dot_dimension_numbers<[1], [1], [0], [0], [0, 0, 1, 0], [], []>, transpose_lhs_hint = false} : vector<2048x256xf32>, vector<128x256xf32>, vector<2048x128xf32> -> vector<2048x128xf32>
    %get3A_20 = arith.constant 0 : index
    %get3A_21 = arith.constant 0 : index
    %get3A_22 = vector.load %arg6[%get3A_20, %get3A_21] : memref<1x128xf32, #tpu.memory_space<vmem>>, vector<1x128xf32>
    %add3A_23 = vector.broadcast %get3A_22 : vector<1x128xf32> to vector<2048x128xf32>
    %add3A_24 = arith.addf %dot_general3A_19, %add3A_23 : vector<2048x128xf32>
    %max3A_25 = arith.constant 0.000000e+00 : f32
    %max3A_26 = vector.broadcast %max3A_25 : f32 to vector<2048x128xf32>
    %max3A_27 = arith.maximumf %add3A_24, %max3A_26 : vector<2048x128xf32>
    %get3A_28 = arith.constant 0 : index
    %get3A_29 = arith.constant 0 : index
    %get3A_30 = vector.load %arg7[%get3A_28, %get3A_29] : memref<64x128xf32, #tpu.memory_space<vmem>>, vector<64x128xf32>
    %dot_general3A_31 = arith.constant dense<0.000000e+00> : vector<2048x64xf32>
    %dot_general3A_32 = tpu.matmul %max3A_27, %get3A_30, %dot_general3A_31 {dimension_numbers = #tpu.dot_dimension_numbers<[1], [1], [0], [0], [0, 0, 1, 0], [], []>, transpose_lhs_hint = false} : vector<2048x128xf32>, vector<64x128xf32>, vector<2048x64xf32> -> vector<2048x64xf32>
    %get3A_33 = arith.constant 0 : index
    %get3A_34 = arith.constant 0 : index
    %get3A_35 = vector.load %arg8[%get3A_33, %get3A_34] : memref<1x64xf32, #tpu.memory_space<vmem>>, vector<1x64xf32>
    %add3A_36 = vector.broadcast %get3A_35 : vector<1x64xf32> to vector<2048x64xf32>
    %add3A_37 = arith.addf %dot_general3A_32, %add3A_36 : vector<2048x64xf32>
    %max3A_38 = arith.constant 0.000000e+00 : f32
    %max3A_39 = vector.broadcast %max3A_38 : f32 to vector<2048x64xf32>
    %max3A_40 = arith.maximumf %add3A_37, %max3A_39 : vector<2048x64xf32>
    %get3A_41 = arith.constant 0 : index
    %get3A_42 = arith.constant 0 : index
    %get3A_43 = vector.load %arg9[%get3A_41, %get3A_42] : memref<1x64xf32, #tpu.memory_space<vmem>>, vector<1x64xf32>
    %mul3A = vector.broadcast %get3A_43 : vector<1x64xf32> to vector<2048x64xf32>
    %mul3A_44 = arith.mulf %max3A_40, %mul3A : vector<2048x64xf32>
    %reduce_sum3A = arith.constant dense<0.000000e+00> : vector<2048xf32>
    %reduce_sum3A_45 = vector.multi_reduction <add>, %mul3A_44, %reduce_sum3A [1] : vector<2048x64xf32> to vector<2048xf32>
    %get3A_46 = arith.constant 0 : index
    %get3A_47 = memref.load %arg10[%get3A_46] : memref<1xf32, #tpu.memory_space<smem>>
    %add3A_48 = vector.broadcast %get3A_47 : f32 to vector<2048xf32>
    %add3A_49 = arith.addf %reduce_sum3A_45, %add3A_48 : vector<2048xf32>
    %swap3A = arith.constant 0 : index
    %swap3A_50 = vector.load %arg11[%swap3A] : memref<2048xf32, #tpu.memory_space<vmem>>, vector<2048xf32>
    tpu.vector_store %arg11[%swap3A], %add3A_49 {strides = array<i32>} : memref<2048xf32, #tpu.memory_space<vmem>>, vector<2048xf32>,
    return
  }
  func.func @transform_0(%arg0: i32) -> (i32, i32) {
    %c0_i32 = arith.constant 0 : i32
    %c0_i32_0 = arith.constant 0 : i32
    return %arg0, %c0_i32 : i32, i32
  }
  func.func @transform_1(%arg0: i32) -> (i32, i32) {
    %c0_i32 = arith.constant 0 : i32
    %c0_i32_0 = arith.constant 0 : i32
    return %arg0, %c0_i32 : i32, i32
  }
  func.func @transform_2(%arg0: i32) -> (i32, i32) {
    %c0_i32 = arith.constant 0 : i32
    %c0_i32_0 = arith.constant 0 : i32
    %c0_i32_1 = arith.constant 0 : i32
    return %c0_i32, %c0_i32_0 : i32, i32
  }
  func.func @transform_3(%arg0: i32) -> (i32, i32) {
    %c0_i32 = arith.constant 0 : i32
    %c0_i32_0 = arith.constant 0 : i32
    %c0_i32_1 = arith.constant 0 : i32
    return %c0_i32, %c0_i32_0 : i32, i32
  }
  func.func @transform_4(%arg0: i32) -> (i32, i32) {
    %c0_i32 = arith.constant 0 : i32
    %c0_i32_0 = arith.constant 0 : i32
    %c0_i32_1 = arith.constant 0 : i32
    return %c0_i32, %c0_i32_0 : i32, i32
  }
  func.func @transform_5(%arg0: i32) -> (i32, i32) {
    %c0_i32 = arith.constant 0 : i32
    %c0_i32_0 = arith.constant 0 : i32
    %c0_i32_1 = arith.constant 0 : i32
    return %c0_i32, %c0_i32_0 : i32, i32
  }
  func.func @transform_6(%arg0: i32) -> (i32, i32) {
    %c0_i32 = arith.constant 0 : i32
    %c0_i32_0 = arith.constant 0 : i32
    %c0_i32_1 = arith.constant 0 : i32
    return %c0_i32, %c0_i32_0 : i32, i32
  }
  func.func @transform_7(%arg0: i32) -> (i32, i32) {
    %c0_i32 = arith.constant 0 : i32
    %c0_i32_0 = arith.constant 0 : i32
    %c0_i32_1 = arith.constant 0 : i32
    return %c0_i32, %c0_i32_0 : i32, i32
  }
  func.func @transform_8(%arg0: i32) -> (i32, i32) {
    %c0_i32 = arith.constant 0 : i32
    %c0_i32_0 = arith.constant 0 : i32
    %c0_i32_1 = arith.constant 0 : i32
    return %c0_i32, %c0_i32_0 : i32, i32
  }
  func.func @transform_9(%arg0: i32) -> i32 {
    %c0_i32 = arith.constant 0 : i32
    %c0_i32_0 = arith.constant 0 : i32
    return %c0_i32 : i32
  }
  func.func @transform_10(%arg0: i32) -> i32 {
    %c0_i32 = arith.constant 0 : i32
    return %arg0 : i32
  }
}

</mosaic_0001>

<sc_bundles>
// kernel: kernel.4.cloned.1.call-start
scs
__scs_entry_jumppad:
0x0: {  	(pc) =	sbr.rel $0x88, $3  }
0x1: {  	(tag) =	ssettag $0x0;
	lr =	simm.s32 $0x1  }
0x2: {  	[smem:$0x3F95] =	sst lr;
	_ =	strace $0xD0000000  }
0x3: {  	_ = 	snop  }
0x4: {  	_ = 	snop  }
0x5: {  	_ = 	snop  }
0x6: {  	_ = 	snop  }
0x7: {  	_ = 	snop  }
__scs_overlays_trampoline_lowered:
0x8: {  	[smem:$0x3FA4] =	sst s0  }
0x9: {  	[smem:$0x3FA5] =	sst s1  }
0xa: {  	[smem:$0x3FA6] =	sst s2  }
0xb: {  	[smem:$0x3FA7] =	sst s3  }
0xc: {  	[smem:$0x3FA8] =	sst s4  }
0xd: {  	[smem:$0x3FA9] =	sst s5  }
0xe: {  	[smem:$0x3FAA] =	sst s6  }
0xf: {  	[smem:$0x3FAB] =	sst s7  }
0x10: {  	[smem:$0x3FAC] =	sst s8  }
0x11: {  	[smem:$0x3FAD] =	sst s9;
	s0 =	simm.s32 @!p0 $0x0  }
0x12: {  	s1 =	sld [smem:$0x3F93];
	s0 =	simm.s32 @p0 $0x1  }
0x13: {  	[smem:$0x3FAE] =	sst s0;
	s0 =	simm.s32 @!p1 $0x0  }
0x14: {  	s2 =	sld [smem:$0x3F92];
	s0 =	simm.s32 @p1 $0x1  }
0x15: {  	[smem:$0x3FAF] =	sst s0;
	s0 =	simm.s32 @!p2 $0x0  }
0x16: {  	s3 =	sld [smem:$0x3FDB];
	s0 =	simm.s32 @p2 $0x1  }
0x17: {  	s4 =	simm.s32 $0x1BF5;
	[smem:$0x3FB1] =	sst s0  }
0x18: {  	s0 =	sld [smem:$0x3F94];
	_ =	swait.ge [sflag:s4], $0x0  }
0x19: {  	s7 =	sld [smem:$0x3F95]  }
0x1a: {  	s8 =	sadd.s32 $0xFFFFE003, lr  }
0x1b: {  	s9 =	sadd.s32 $0xFFFFFEF7, lr;
	s5 =	simm.s32 $0xFFFFFFFF;
	p2 =	slt.u32 s8, $0xFFFFF086  }
0x1c: {  	p1 =	slt.u32 s9, $0xF7A;
	s5 =	simm.s32 @!p2 $0x0  }
0x1d: {  	s5 =	simm.s32 @p1 $0x1;
	p0 =	seq.s32 s7, s2  }
0x1e: {  	s7 =	smul.u32 @!p0 $0xF7A, s2;
	p2 =	seq.s32 @!p0 s5, $0x0  }
0x1f: {  	s9 =	smul.u32 $0xF7A, s1;
	s8 =	simm.s32 @!p0 $0x1BF5;
	p2 =	por !p2, p0  }
0x20: {  	[sflag:s8] =	ssyncset.s32 @!p0 $0xFFFFF086;
	s6 =	sadd.s32 @!p0 s3, s7;
	s7 =	simm.s32 @!p0 $0x108  }
0x21: {  	s3 =	sadd.s32 s3, s9;
	s6 =	sadd.s32 @!p0 $0x88, s6;
	s7 =	simm.s32 @p2 $0x1082  }
0x22: {  	[simem:s7], [sflag:s8] =	dma.local @!p0 [hbm:s6], $0xF7A  }
0x23: {  	s9 =	sor.u32 $0xD0000000, s2;
	s6 =	simm.s32 $0x108;
	_ =	swait.ge @!p0 [sflag:s8], $0x0  }
0x24: {  	s3 =	sadd.s32 $0x88, s3;
	s6 =	simm.s32 @!p1 $0x1082;
	[sflag:s4] =	ssyncset.s32 $0xFFFFF086  }
0x25: {  	[simem:s6], [sflag:s4] =	dma.local [hbm:s3], $0xF7A  }
0x26: {  	[smem:$0x3F95] =	sst s1;
	(tag) =	ssettag s2;
	_ =	strace s9  }
0x27: {  	s1 =	sld [smem:$0x3FA5]  }
0x28: {  	s2 =	sld [smem:$0x3FA6]  }
0x29: {  	s4 =	sld [smem:$0x3FA8]  }
0x2a: {  	p0 =	seq.s32 s5, $0x0;
	s5 =	sld [smem:$0x3FA9]  }
0x2b: {  	s6 =	sld [smem:$0x3FAA]  }
0x2c: {  	s7 =	sld [smem:$0x3FAB]  }
0x2d: {  	s3 =	simm.s32 $0x108;
	s8 =	sld [smem:$0x3FAC]  }
0x2e: {  	s3 =	simm.s32 @!p0 $0x1082;
	s9 =	sld [smem:$0x3FAD]  }
0x2f: {  	lr =	sadd.s32 s0, s3;
	s0 =	sld [smem:$0x3FA4]  }
0x30: {  	s3 =	sld [smem:$0x3FA7]  }
0x31: {  	[smem:$0x3FB0] =	sst s10  }
0x32: {  	s10 =	sld [smem:$0x3FAE];
	_ =	sdelay $0x3  }
0x33: {  	p0 =	seq.s32 s10, $0x1;
	s10 =	sld [smem:$0x3FB0];
	_ =	sdelay $0x3  }
0x34: {  	[smem:$0x3FB0] =	sst s10  }
0x35: {  	s10 =	sld [smem:$0x3FAF];
	_ =	sdelay $0x3  }
0x36: {  	p1 =	seq.s32 s10, $0x1;
	s10 =	sld [smem:$0x3FB0];
	_ =	sdelay $0x3  }
0x37: {  	[smem:$0x3FB0] =	sst s10  }
0x38: {  	s10 =	sld [smem:$0x3FB1]  }
0x39: {  	_ = 	snop;
	(pc) =	sbr.ind lr, $3  }
0x3a: {  	_ = 	snop  }
0x3b: {  	_ = 	snop  }
0x3c: {  	p2 =	seq.s32 s10, $0x1;
	s10 =	sld [smem:$0x3FB0]  }
0x3d: {  	_ =	shalt  }
0x3e: {  	_ =	shalt  }
0x3f: {  	_ =	shalt  }
0x40: {  	_ =	shalt  }
0x41: {  	_ =	shalt  }
0x42: {  	_ =	shalt  }
0x43: {  	_ =	shalt  }
0x44: {  	_ =	shalt  }
0x45: {  	_ =	shalt  }
0x46: {  	_ =	shalt  }
0x47: {  	_ =	shalt  }
0x48: {  	_ =	shalt  }
0x49: {  	_ =	shalt  }
0x4a: {  	_ =	shalt  }
0x4b: {  	_ =	shalt  }
0x4c: {  	_ =	shalt  }
0x4d: {  	_ =	shalt  }
0x4e: {  	_ =	shalt  }
0x4f: {  	_ =	shalt  }
0x50: {  	_ =	shalt  }
0x51: {  	_ =	shalt  }
0x52: {  	_ =	shalt  }
0x53: {  	_ =	shalt  }
0x54: {  	_ =	shalt  }
0x55: {  	_ =	shalt  }
0x56: {  	_ =	shalt  }
0x57: {  	_ =	shalt  }
0x58: {  	_ =	shalt  }
0x59: {  	_ =	shalt  }
0x5a: {  	_ =	shalt  }
0x5b: {  	_ =	shalt  }
0x5c: {  	_ =	shalt  }
0x5d: {  	_ =	shalt  }
0x5e: {  	_ =	shalt  }
0x5f: {  	_ =	shalt  }
0x60: {  	_ =	shalt  }
0x61: {  	_ =	shalt  }
0x62: {  	_ =	shalt  }
0x63: {  	_ =	shalt  }
0x64: {  	_ =	shalt  }
0x65: {  	_ =	shalt  }
0x66: {  	_ =	shalt  }
0x67: {  	_ =	shalt  }
0x68: {  	_ =	shalt  }
0x69: {  	_ =	shalt  }
0x6a: {  	_ =	shalt  }
0x6b: {  	_ =	shalt  }
0x6c: {  	_ =	shalt  }
0x6d: {  	_ =	shalt  }
0x6e: {  	_ =	shalt  }
0x6f: {  	_ =	shalt  }
0x70: {  	_ =	shalt  }
0x71: {  	_ =	shalt  }
0x72: {  	_ =	shalt  }
0x73: {  	_ =	shalt  }
0x74: {  	_ =	shalt  }
0x75: {  	_ =	shalt  }
0x76: {  	_ =	shalt  }
0x77: {  	_ =	shalt  }
0x78: {  	_ =	shalt  }
0x79: {  	_ =	shalt  }
0x7a: {  	_ =	shalt  }
0x7b: {  	_ =	shalt  }
0x7c: {  	_ =	shalt  }
0x7d: {  	_ =	shalt  }
0x7e: {  	_ =	shalt  }
0x7f: {  	_ =	shalt  }
0x80: {  	_ =	shalt  }
0x81: {  	_ =	shalt  }
0x82: {  	_ =	shalt  }
0x83: {  	_ =	shalt  }
0x84: {  	_ =	shalt  }
0x85: {  	_ =	shalt  }
0x86: {  	_ =	shalt  }
0x87: {  	_ =	shalt  }
.Lfunc_end0:
.L_simem_size_0:
called_computation_lowered:
.L_overlay_start_0:
0x88: {  	s2 =	sld [smem:$0x3FD9]  }
0x89: {  	s3 =	sld [smem:$0x3FFE];
	_ =	sdelay $0x1  }
0x8a: {  	s1 =	srdreg.scid  }
0x8b: {  	s0 =	sand.u32 $0x1, s1  }
0x8c: {  	s17 =	sshll.u32 s0, $0xA;
	s2 =	sadd.s32 s3, s2  }
0x8d: {  	s2 =	sadd.s32 s2, s17  }
0x8e: {  	[smem:$0x3FBC] =	sst s2  }
0x8f: {  	_ = 	snop  }
0x90: {  	s2 =	sld [smem:$0x3FC9]  }
0x91: {  	s18 =	sld [smem:$0x3FC8];
	(tm) =	ssettm $0x1  }
0x92: {  	s4 =	sld [smem:$0x3FFB];
	_ =	sdelay $0x3  }
0x93: {  	_ =	strace s4  }
0x94: {  	s4 =	sld [smem:$0x3FFC];
	_ =	sdelay $0x3  }
0x95: {  	_ =	strace s4  }
0x96: {  	s4 =	sld [smem:$0x3FFD];
	_ =	sdelay $0x3  }
0x97: {  	_ =	strace s4  }
0x98: {  	_ =	strace $0x8FFFFFFF  }
0x99: {  	s19 =	sld [smem:$0x3FDB];
	_ =	sdelay $0x1  }
0x9a: {  	s5 =	simm.s32 $_scs_section_size  }
0x9b: {  	s6 =	simm.s32 $_size__tile_overlayer_lowered;
	s7 =	simm.s32 $_tile_overlayer_lowered  }
0x9c: {  	s22 =	simm.s32 $0x1BFF;
	s21 =	sshll.u32 s7, $0x1;
	s4 =	sadd.s32 s5, s19  }
0x9d: {  	s8 =	simm.s32 $0x0;
	s20 =	sshll.u32 s6, $0x1;
	s6 =	sadd.s32 s21, s4  }
0x9e: {  	[timem:s8], [sflag:s22] =	dma.local [hbm:s6], s20  }
0x9f: {  	_ =	swait.ge [sflag:s22], s20  }
0xa0: {  	s5 =	ssub.s32 $0x0, s20;
	[sflag:s22] =	ssyncset.done $0x0  }
0xa1: {  	[sflag:s22] =	ssyncadd.s32 s5;
	_ =	sdelay $0x1  }
0xa2: {  	s23 =	simm.s32 $0x1B8B  }
0xa3: {  	_ =	swait.ge [sflag:s23], $0x1  }
0xa4: {  	[sflag:s23] =	ssyncset.done $0x0  }
0xa5: {  	s25 =	simm.s32 $0x1B8E;
	s24 =	sld [smem:$0x3FFE];
	[sflag:s23] =	ssyncadd.s32 $0xFFFFFFFF  }
0xa6: {  	s26 =	simm.s32 $execute0_lowered;
	[smem:$0x3FD2] =	sst s25  }
0xa7: {  	s6 =	sshll.u32 s26, $0x1;
	_ =	strace $0x80000046;
	[dreg:$0x1] =	wrdreg $0xFFFFFFFF  }
0xa8: {  	s28 =	simm.s32 $_size_execute0_lowered;
	s4 =	sadd.s32 s4, s6;
	[dreg:$0x0] =	wrdreg $0x0  }
0xa9: {  	s6 =	sshll.u32 s28, $0x1;
	[dreg:$0x2] =	wrdreg s4  }
0xaa: {  	[dreg:$0x3] =	wrdreg s6  }
0xab: {  	[dreg:$0x4] =	wrdreg $0xC0  }
0xac: {  	_ =	task [dreg:s8], $0x5FFFF  }
0xad: {  	[dreg:$0x1] =	wrdreg $0xFFFFFFFF  }
0xae: {  	[dreg:$0x0] =	wrdreg $0x60  }
0xaf: {  	[dreg:$0x2] =	wrdreg s2  }
0xb0: {  	[dreg:$0x3] =	wrdreg s18  }
0xb1: {  	[dreg:$0x4] =	wrdreg s24  }
0xb2: {  	[dreg:$0x5] =	wrdreg $0x9  }
0xb3: {  	_ =	task.clear_ibuf [dreg:s8], $0x6FFFF;
	_ =	strace $0x90000046  }
0xb4: {  	s29 =	simm.s32 $0x9;
	_ =	strace $0x80000048  }
0xb5: {  	_ =	swait.ge [sflag:s29], $0x1  }
0xb6: {  	[sflag:s29] =	ssyncadd.s32 $0xFFFFFFFF  }
0xb7: {  	_ =	strace $0x90000048  }
0xb8: {  	_ =	sfence  }
0xb9: {  	s30 =	sld [smem:$0x0];
	_ =	sdelay $0x2  }
0xba: {  	s31 =	sshll.u32 s1, $0xD;
	s1 =	sshrl.u32 s1, $0x2  }
0xbb: {  	s3 =	sand.u32 $0x4000, s31;
	s1 =	sadd.s32 s1, s30  }
0xbc: {  	s0 =	sor.u32 s3, s0;
	s1 =	sshll.u32 s1, $0x11  }
0xbd: {  	s0 =	sor.u32 s1, s0  }
0xbe: {  	s0 =	sadd.s32 $0x8F2B, s0  }
0xbf: {  	[sflag:s0] =	ssyncadd.remote.s32 $0x1  }
0xc0: {  	_ =	sfence.sel $0xFFFF  }
0xc1: {  	[dreg:$0x0] =	wrdreg $0xFFFFFFFF;
	(pc) =	sbr.abs _section_cstart, $3  }
0xc2: {  	[dreg:$0x1] =	wrdreg $0xFFFFFFFF  }
0xc3: {  	_ =	task.clear_ibuf [dreg:s8], $0x2FFFF;
	_ =	strace $0x9FFFFFFF  }
0xc4: {  	(tm) =	ssettm $0x7FFFFFFF  }
0xc5: {  	_ =	shalt  }
tec
execute0_lowered:
.L_overlay_start_1:
0x0: {  	(tag) =	ssettag $0x1  }
0x1: {  	s0 =	rddreg [dreg:$0x0]  }
0x2: {  	s1 =	rddreg [dreg:$0x1]  }
0x3: {  	s3 =	rddreg [dreg:$0x2];
	s2 =	simm.s32 $0x0;
	s4 =	srdreg.scid  }
0x4: {  	s5 =	stileid.u32;
	s25 =	simm.s32 $0x200;
	s24 =	simm.s32 $0x80  }
0x5: {  	s26 =	simm.s32 $0x280;
	s16 =	simm.s32 $0xA400;
	s28 =	simm.s32 $0x100  }
0x6: {  	s15 =	simm.s32 $0x4400;
	s29 =	simm.s32 $0x300;
	p0 =	por $0x0, $0x0  }
0x7: {  	s30 =	simm.s32 $0x180;
	s14 =	simm.s32 $0x6400;
	s31 =	simm.s32 $0x380  }
0x8: {  	[smem:$0x7FF] =	sst s2;
	s4 =	sand.u32 $0x1, s4;
	s18 =	sadd.s32 $0x16E4C00, s3  }
0x9: {  	s5 =	sshll.u32 s5, $0x1;
	s19 =	sadd.s32 $0xF43A00, s3;
	s12 =	sadd.s32 $0x21600, s3  }
0xa: {  	s3 =	sadd.s32 $0x1600, s3;
	s5 =	sor.u32 s4, s5;
	s4 =	ssub.s32 $0x2, s4  }
0xb: {  	_ =	strace $0x80000047;
	s6 =	sshll.u32 s5, $0x6;
	s7 =	sshrl.u32 s4, $0x1  }
0xc: {  	s20 =	sshll.u32 s5, $0xC;
	s0 =	sadd.s32 s0, s6;
	s17 =	sadd.s32 s1, s6  }
0xd: {  	s13 =	ssub.s32 s4, s7;
	s21 =	sor.u32 $0x400, s20;
	s11 =	sadd.s32 s12, s20  }
0xe: {  	s10 =	sadd.s32 s3, s20;
	s22 =	sor.u32 $0x800, s20;
	s1 =	sor.u32 $0xC00, s20  }
0xf: {  	s20 =	simm.s32 $0x8400;
	[dreg:$0x4] =	wrdreg s0;
	s23 =	smax.u32 s13, $0x1  }
0x10: {  	[dreg:$0x5] =	wrdreg s17;
	s9 =	sadd.s32 s12, s21;
	p1 =	sne.s32 s23, $0x1  }
.Ltmp0:
0x11: {  	s8 =	sadd.s32 s3, s21;
	s7 =	sadd.s32 s12, s22;
	(pc) =	sbr.rel @!p1 .LBB2_3-.Ltmp0, $4  }
0x12: {  	s6 =	sadd.s32 s3, s22;
	s5 =	sadd.s32 s12, s1;
	s4 =	sadd.s32 s3, s1  }
0x13: {  	s3 =	simm.s32 $0x3;
	s21 =	simm.s32 $0x400;
	s17 =	simm.s32 $0x2400  }
0x14: {  	s13 =	simm.s32 $0xC400;
	s12 =	simm.s32 $0xE400;
	s22 =	simm.s32 $0x2  }
0x15: {  	s0 =	sadd.s32 $0xFFFFFFFF, s23;
	s23 =	simm.s32 $0x1;
	s1 =	rddreg [dreg:$0x4]  }
0x16: {  	[tilespmem:s2], [sflag:$0x3] =	stream.linear.gather [hbm4b:s1+s2], $0x200, $0x38;
	[tilespmem:$0x10400] =	vst v63  }
0x17: {  	_ =	swait.ge [sflag:s3], $0x200  }
0x18: {  	[sflag:s3] =	ssyncset.done $0x0  }
0x19: {  	s1 =	rddreg [dreg:$0x5];
	[sflag:s3] =	ssyncadd.s32 $0xFFFFFE00  }
0x1a: {  	[tilespmem:s25], [sflag:$0x3] =	stream.linear.gather [hbm4b:s1+s2], $0x200, $0x38;
	[tilespmem:$0x10400] =	vst v63  }
0x1b: {  	_ =	swait.ge [sflag:s3], $0x200  }
0x1c: {  	[sflag:s3] =	ssyncset.done $0x0  }
0x1d: {  	[sflag:s3] =	ssyncadd.s32 $0xFFFFFE00  }
0x1e: {  	[tilespmem:s21], [sflag:$0x1] =	stream.indirect.gather [hbm4b:s18+s24], $0x40, s2, s24, $0xb8;
	[tilespmem:$0x10400] =	vst v63  }
0x1f: {  	_ = 	snop  }
0x20: {  	[tilespmem:s20], [sflag:$0x2] =	stream.indirect.gather [hbm4b:s19+s24], $0x40, s25, s24, $0xb8;
	[tilespmem:$0x10400] =	vst v63  }
0x21: {  	_ = 	snop  }
0x22: {  	[tilespmem:s17], [sflag:$0x1] =	stream.indirect.gather [hbm4b:s18+s24], $0x40, s24, s24, $0xb8;
	[tilespmem:$0x10400] =	vst v63  }
0x23: {  	_ = 	snop  }
0x24: {  	[tilespmem:s16], [sflag:$0x2] =	stream.indirect.gather [hbm4b:s19+s24], $0x40, s26, s24, $0xb8;
	[tilespmem:$0x10400] =	vst v63  }
0x25: {  	_ = 	snop  }
0x26: {  	[tilespmem:s15], [sflag:$0x1] =	stream.indirect.gather [hbm4b:s18+s24], $0x40, s28, s24, $0xb8;
	[tilespmem:$0x10400] =	vst v63  }
0x27: {  	_ = 	snop  }
0x28: {  	[tilespmem:s13], [sflag:$0x2] =	stream.indirect.gather [hbm4b:s19+s24], $0x40, s29, s24, $0xb8;
	[tilespmem:$0x10400] =	vst v63  }
0x29: {  	_ = 	snop  }
0x2a: {  	[tilespmem:s14], [sflag:$0x1] =	stream.indirect.gather [hbm4b:s18+s24], $0x40, s30, s24, $0xb8;
	[tilespmem:$0x10400] =	vst v63  }
0x2b: {  	_ = 	snop  }
0x2c: {  	[tilespmem:s12], [sflag:$0x2] =	stream.indirect.gather [hbm4b:s19+s24], $0x40, s31, s24, $0xb8;
	[tilespmem:$0x10400] =	vst v63  }
0x2d: {  	_ =	swait.ge [sflag:s23], $0x2000  }
0x2e: {  	[sflag:s23] =	ssyncset.done $0x0  }
0x2f: {  	[sflag:s23] =	ssyncadd.s32 $0xFFFFE000  }
0x30: {  	_ =	swait.ge [sflag:s22], $0x2000  }
0x31: {  	[sflag:s22] =	ssyncset.done $0x0  }
0x32: {  	[sflag:s22] =	ssyncadd.s32 $0xFFFFE000  }
0x33: {  	_ =	swait.ge [sflag:s23], $0x2000  }
0x34: {  	[sflag:s23] =	ssyncset.done $0x0  }
0x35: {  	[sflag:s23] =	ssyncadd.s32 $0xFFFFE000  }
0x36: {  	_ =	swait.ge [sflag:s22], $0x2000  }
0x37: {  	[sflag:s22] =	ssyncset.done $0x0  }
0x38: {  	[sflag:s22] =	ssyncadd.s32 $0xFFFFE000  }
0x39: {  	_ =	swait.ge [sflag:s23], $0x2000  }
0x3a: {  	[sflag:s23] =	ssyncset.done $0x0  }
0x3b: {  	[sflag:s23] =	ssyncadd.s32 $0xFFFFE000  }
0x3c: {  	_ =	swait.ge [sflag:s22], $0x2000  }
0x3d: {  	[sflag:s22] =	ssyncset.done $0x0  }
0x3e: {  	[sflag:s22] =	ssyncadd.s32 $0xFFFFE000  }
0x3f: {  	_ =	swait.ge [sflag:s23], $0x2000  }
0x40: {  	[sflag:s23] =	ssyncset.done $0x0  }
0x41: {  	[sflag:s23] =	ssyncadd.s32 $0xFFFFE000  }
0x42: {  	_ =	swait.ge [sflag:s22], $0x2000  }
0x43: {  	[sflag:s22] =	ssyncset.done $0x0  }
0x44: {  	[sflag:s22] =	ssyncadd.s32 $0xFFFFE000  }
0x45: {  	[hbm4b:s11+s2] =	stream.linear.scatter [tilespmem:s21], [sflag:$0x3], $0x2000, $0x38;
	[tilespmem:$0x10400] =	vst v63  }
0x46: {  	_ =	swait.ge [sflag:s3], $0x2000  }
0x47: {  	[sflag:s3] =	ssyncset.done $0x0  }
0x48: {  	[sflag:s3] =	ssyncadd.s32 $0xFFFFE000  }
0x49: {  	[hbm4b:s10+s2] =	stream.linear.scatter [tilespmem:s20], [sflag:$0x3], $0x2000, $0x38;
	[tilespmem:$0x10400] =	vst v63  }
0x4a: {  	_ =	swait.ge [sflag:s3], $0x2000  }
0x4b: {  	[sflag:s3] =	ssyncset.done $0x0  }
0x4c: {  	[sflag:s3] =	ssyncadd.s32 $0xFFFFE000  }
0x4d: {  	[hbm4b:s9+s2] =	stream.linear.scatter [tilespmem:s17], [sflag:$0x3], $0x2000, $0x38;
	[tilespmem:$0x10400] =	vst v63  }
0x4e: {  	_ =	swait.ge [sflag:s3], $0x2000  }
0x4f: {  	[sflag:s3] =	ssyncset.done $0x0  }
0x50: {  	[sflag:s3] =	ssyncadd.s32 $0xFFFFE000  }
0x51: {  	[hbm4b:s8+s2] =	stream.linear.scatter [tilespmem:s16], [sflag:$0x3], $0x2000, $0x38;
	[tilespmem:$0x10400] =	vst v63  }
0x52: {  	_ =	swait.ge [sflag:s3], $0x2000  }
0x53: {  	[sflag:s3] =	ssyncset.done $0x0  }
0x54: {  	[sflag:s3] =	ssyncadd.s32 $0xFFFFE000  }
0x55: {  	[hbm4b:s7+s2] =	stream.linear.scatter [tilespmem:s15], [sflag:$0x3], $0x2000, $0x38;
	[tilespmem:$0x10400] =	vst v63  }
0x56: {  	_ =	swait.ge [sflag:s3], $0x2000  }
0x57: {  	[sflag:s3] =	ssyncset.done $0x0  }
0x58: {  	[sflag:s3] =	ssyncadd.s32 $0xFFFFE000  }
0x59: {  	[hbm4b:s6+s2] =	stream.linear.scatter [tilespmem:s13], [sflag:$0x3], $0x2000, $0x38;
	[tilespmem:$0x10400] =	vst v63  }
0x5a: {  	_ =	swait.ge [sflag:s3], $0x2000  }
0x5b: {  	[sflag:s3] =	ssyncset.done $0x0  }
0x5c: {  	[sflag:s3] =	ssyncadd.s32 $0xFFFFE000  }
0x5d: {  	[hbm4b:s5+s2] =	stream.linear.scatter [tilespmem:s14], [sflag:$0x3], $0x2000, $0x38;
	[tilespmem:$0x10400] =	vst v63  }
0x5e: {  	p1 =	sne.s32 s0, $0x1;
	_ =	swait.ge [sflag:s3], $0x2000  }
.Ltmp1:
0x5f: {  	[sflag:s3] =	ssyncset.done $0x0;
	(pc) =	sbr.rel @!p1 .LBB2_3-.Ltmp1, $4  }
0x60: {  	[sflag:s3] =	ssyncadd.s32 $0xFFFFE000  }
0x61: {  	[hbm4b:s4+s2] =	stream.linear.scatter [tilespmem:s12], [sflag:$0x3], $0x2000, $0x38;
	[tilespmem:$0x10400] =	vst v63  }
0x62: {  	s0 =	sadd.s32 $0xFFFFFFFF, s0;
	_ =	swait.ge [sflag:s3], $0x2000  }
0x63: {  	p0 =	por $0x1, $0x1;
	s1 =	rddreg [dreg:$0x4];
	[sflag:s3] =	ssyncset.done $0x0  }
.LBB2_2:
0x64: {  	[sflag:s3] =	ssyncadd.s32 $0xFFFFE000  }
0x65: {  	[tilespmem:s2], [sflag:$0x3] =	stream.linear.gather [hbm4b:s1+s2], $0x200, $0x38;
	[tilespmem:$0x10400] =	vst v63  }
0x66: {  	_ =	swait.ge [sflag:s3], $0x200  }
0x67: {  	[sflag:s3] =	ssyncset.done $0x0  }
0x68: {  	s1 =	rddreg [dreg:$0x5];
	[sflag:s3] =	ssyncadd.s32 $0xFFFFFE00  }
0x69: {  	[tilespmem:s25], [sflag:$0x3] =	stream.linear.gather [hbm4b:s1+s2], $0x200, $0x38;
	[tilespmem:$0x10400] =	vst v63  }
0x6a: {  	_ =	swait.ge [sflag:s3], $0x200  }
0x6b: {  	[sflag:s3] =	ssyncset.done $0x0  }
0x6c: {  	[sflag:s3] =	ssyncadd.s32 $0xFFFFFE00  }
0x6d: {  	[tilespmem:s21], [sflag:$0x1] =	stream.indirect.gather [hbm4b:s18+s24], $0x40, s2, s24, $0xb8;
	[tilespmem:$0x10400] =	vst v63  }
0x6e: {  	_ = 	snop  }
0x6f: {  	[tilespmem:s20], [sflag:$0x2] =	stream.indirect.gather [hbm4b:s19+s24], $0x40, s25, s24, $0xb8;
	[tilespmem:$0x10400] =	vst v63  }
0x70: {  	_ = 	snop  }
0x71: {  	[tilespmem:s17], [sflag:$0x1] =	stream.indirect.gather [hbm4b:s18+s24], $0x40, s24, s24, $0xb8;
	[tilespmem:$0x10400] =	vst v63  }
0x72: {  	_ = 	snop  }
0x73: {  	[tilespmem:s16], [sflag:$0x2] =	stream.indirect.gather [hbm4b:s19+s24], $0x40, s26, s24, $0xb8;
	[tilespmem:$0x10400] =	vst v63  }
0x74: {  	_ = 	snop  }
0x75: {  	[tilespmem:s15], [sflag:$0x1] =	stream.indirect.gather [hbm4b:s18+s24], $0x40, s28, s24, $0xb8;
	[tilespmem:$0x10400] =	vst v63  }
0x76: {  	_ = 	snop  }
0x77: {  	[tilespmem:s13], [sflag:$0x2] =	stream.indirect.gather [hbm4b:s19+s24], $0x40, s29, s24, $0xb8;
	[tilespmem:$0x10400] =	vst v63  }
0x78: {  	_ = 	snop  }
0x79: {  	[tilespmem:s14], [sflag:$0x1] =	stream.indirect.gather [hbm4b:s18+s24], $0x40, s30, s24, $0xb8;
	[tilespmem:$0x10400] =	vst v63  }
0x7a: {  	_ = 	snop  }
0x7b: {  	[tilespmem:s12], [sflag:$0x2] =	stream.indirect.gather [hbm4b:s19+s24], $0x40, s31, s24, $0xb8;
	[tilespmem:$0x10400] =	vst v63  }
0x7c: {  	_ =	swait.ge [sflag:s23], $0x2000  }
0x7d: {  	[sflag:s23] =	ssyncset.done $0x0  }
0x7e: {  	[sflag:s23] =	ssyncadd.s32 $0xFFFFE000  }
0x7f: {  	_ =	swait.ge [sflag:s22], $0x2000  }
0x80: {  	[sflag:s22] =	ssyncset.done $0x0  }
0x81: {  	[sflag:s22] =	ssyncadd.s32 $0xFFFFE000  }
0x82: {  	_ =	swait.ge [sflag:s23], $0x2000  }
0x83: {  	[sflag:s23] =	ssyncset.done $0x0  }
0x84: {  	[sflag:s23] =	ssyncadd.s32 $0xFFFFE000  }
0x85: {  	_ =	swait.ge [sflag:s22], $0x2000  }
0x86: {  	[sflag:s22] =	ssyncset.done $0x0  }
0x87: {  	[sflag:s22] =	ssyncadd.s32 $0xFFFFE000  }
0x88: {  	_ =	swait.ge [sflag:s23], $0x2000  }
0x89: {  	[sflag:s23] =	ssyncset.done $0x0  }
0x8a: {  	[sflag:s23] =	ssyncadd.s32 $0xFFFFE000  }
0x8b: {  	_ =	swait.ge [sflag:s22], $0x2000  }
0x8c: {  	[sflag:s22] =	ssyncset.done $0x0  }
0x8d: {  	[sflag:s22] =	ssyncadd.s32 $0xFFFFE000  }
0x8e: {  	_ =	swait.ge [sflag:s23], $0x2000  }
0x8f: {  	[sflag:s23] =	ssyncset.done $0x0  }
0x90: {  	[sflag:s23] =	ssyncadd.s32 $0xFFFFE000  }
0x91: {  	_ =	swait.ge [sflag:s22], $0x2000  }
0x92: {  	[sflag:s22] =	ssyncset.done $0x0  }
0x93: {  	[sflag:s22] =	ssyncadd.s32 $0xFFFFE000  }
0x94: {  	[hbm4b:s11+s2] =	stream.linear.scatter [tilespmem:s21], [sflag:$0x3], $0x2000, $0x38;
	[tilespmem:$0x10400] =	vst v63  }
0x95: {  	_ =	swait.ge [sflag:s3], $0x2000  }
0x96: {  	[sflag:s3] =	ssyncset.done $0x0  }
0x97: {  	[sflag:s3] =	ssyncadd.s32 $0xFFFFE000  }
0x98: {  	[hbm4b:s10+s2] =	stream.linear.scatter [tilespmem:s20], [sflag:$0x3], $0x2000, $0x38;
	[tilespmem:$0x10400] =	vst v63  }
0x99: {  	_ =	swait.ge [sflag:s3], $0x2000  }
0x9a: {  	[sflag:s3] =	ssyncset.done $0x0  }
0x9b: {  	[sflag:s3] =	ssyncadd.s32 $0xFFFFE000  }
0x9c: {  	[hbm4b:s9+s2] =	stream.linear.scatter [tilespmem:s17], [sflag:$0x3], $0x2000, $0x38;
	[tilespmem:$0x10400] =	vst v63  }
0x9d: {  	_ =	swait.ge [sflag:s3], $0x2000  }
0x9e: {  	[sflag:s3] =	ssyncset.done $0x0  }
0x9f: {  	[sflag:s3] =	ssyncadd.s32 $0xFFFFE000  }
0xa0: {  	[hbm4b:s8+s2] =	stream.linear.scatter [tilespmem:s16], [sflag:$0x3], $0x2000, $0x38;
	[tilespmem:$0x10400] =	vst v63  }
0xa1: {  	_ =	swait.ge [sflag:s3], $0x2000  }
0xa2: {  	[sflag:s3] =	ssyncset.done $0x0  }
0xa3: {  	[sflag:s3] =	ssyncadd.s32 $0xFFFFE000  }
0xa4: {  	[hbm4b:s7+s2] =	stream.linear.scatter [tilespmem:s15], [sflag:$0x3], $0x2000, $0x38;
	[tilespmem:$0x10400] =	vst v63  }
0xa5: {  	_ =	swait.ge [sflag:s3], $0x2000  }
0xa6: {  	[sflag:s3] =	ssyncset.done $0x0  }
0xa7: {  	[sflag:s3] =	ssyncadd.s32 $0xFFFFE000  }
0xa8: {  	[hbm4b:s6+s2] =	stream.linear.scatter [tilespmem:s13], [sflag:$0x3], $0x2000, $0x38;
	[tilespmem:$0x10400] =	vst v63  }
0xa9: {  	_ =	swait.ge [sflag:s3], $0x2000  }
0xaa: {  	[sflag:s3] =	ssyncset.done $0x0  }
0xab: {  	[sflag:s3] =	ssyncadd.s32 $0xFFFFE000  }
0xac: {  	[hbm4b:s5+s2] =	stream.linear.scatter [tilespmem:s14], [sflag:$0x3], $0x2000, $0x38;
	[tilespmem:$0x10400] =	vst v63  }
0xad: {  	p1 =	sne.s32 s0, $0x1;
	_ =	swait.ge [sflag:s3], $0x2000  }
.Ltmp2:
0xae: {  	[sflag:s3] =	ssyncset.done $0x0;
	(pc) =	sbr.rel @p1 .LBB2_2-.Ltmp2, $4  }
0xaf: {  	[sflag:s3] =	ssyncadd.s32 $0xFFFFE000  }
0xb0: {  	[hbm4b:s4+s2] =	stream.linear.scatter [tilespmem:s12], [sflag:$0x3], $0x2000, $0x38;
	[tilespmem:$0x10400] =	vst v63  }
0xb1: {  	_ =	swait.ge [sflag:s3], $0x2000  }
0xb2: {  	s0 =	sadd.s32 $0xFFFFFFFF, s0;
	s1 =	rddreg [dreg:$0x4];
	[sflag:s3] =	ssyncset.done $0x0  }
.LBB2_3:
0xb3: {  	[sflag:s3] =	ssyncadd.s32 @p0 $0xFFFFE000  }
0xb4: {  	[tilespmem:s2], [sflag:$0x3] =	stream.linear.gather [hbm4b:s1+s2], $0x200, $0x38;
	[tilespmem:$0x10400] =	vst v63  }
0xb5: {  	_ =	swait.ge [sflag:s3], $0x200  }
0xb6: {  	[sflag:s3] =	ssyncset.done $0x0  }
0xb7: {  	s0 =	rddreg [dreg:$0x5];
	[sflag:s3] =	ssyncadd.s32 $0xFFFFFE00  }
0xb8: {  	[tilespmem:s25], [sflag:$0x3] =	stream.linear.gather [hbm4b:s0+s2], $0x200, $0x38;
	[tilespmem:$0x10400] =	vst v63  }
0xb9: {  	_ =	swait.ge [sflag:s3], $0x200  }
0xba: {  	[sflag:s3] =	ssyncset.done $0x0  }
0xbb: {  	[sflag:s3] =	ssyncadd.s32 $0xFFFFFE00  }
0xbc: {  	[tilespmem:s21], [sflag:$0x1] =	stream.indirect.gather [hbm4b:s18+s24], $0x40, s2, s24, $0xb8;
	[tilespmem:$0x10400] =	vst v63  }
0xbd: {  	_ = 	snop  }
0xbe: {  	[tilespmem:s20], [sflag:$0x2] =	stream.indirect.gather [hbm4b:s19+s24], $0x40, s25, s24, $0xb8;
	[tilespmem:$0x10400] =	vst v63  }
0xbf: {  	_ = 	snop  }
0xc0: {  	[tilespmem:s17], [sflag:$0x1] =	stream.indirect.gather [hbm4b:s18+s24], $0x40, s24, s24, $0xb8;
	[tilespmem:$0x10400] =	vst v63  }
0xc1: {  	_ = 	snop  }
0xc2: {  	[tilespmem:s16], [sflag:$0x2] =	stream.indirect.gather [hbm4b:s19+s24], $0x40, s26, s24, $0xb8;
	[tilespmem:$0x10400] =	vst v63  }
0xc3: {  	_ = 	snop  }
0xc4: {  	[tilespmem:s15], [sflag:$0x1] =	stream.indirect.gather [hbm4b:s18+s24], $0x40, s28, s24, $0xb8;
	[tilespmem:$0x10400] =	vst v63  }
0xc5: {  	_ = 	snop  }
0xc6: {  	[tilespmem:s13], [sflag:$0x2] =	stream.indirect.gather [hbm4b:s19+s24], $0x40, s29, s24, $0xb8;
	[tilespmem:$0x10400] =	vst v63  }
0xc7: {  	_ = 	snop  }
0xc8: {  	[tilespmem:s14], [sflag:$0x1] =	stream.indirect.gather [hbm4b:s18+s24], $0x40, s30, s24, $0xb8;
	[tilespmem:$0x10400] =	vst v63  }
0xc9: {  	_ = 	snop  }
0xca: {  	[tilespmem:s12], [sflag:$0x2] =	stream.indirect.gather [hbm4b:s19+s24], $0x40, s31, s24, $0xb8;
	[tilespmem:$0x10400] =	vst v63  }
0xcb: {  	_ =	swait.ge [sflag:s23], $0x2000  }
0xcc: {  	[sflag:s23] =	ssyncset.done $0x0  }
0xcd: {  	[sflag:s23] =	ssyncadd.s32 $0xFFFFE000  }
0xce: {  	_ =	swait.ge [sflag:s22], $0x2000  }
0xcf: {  	[sflag:s22] =	ssyncset.done $0x0  }
0xd0: {  	[sflag:s22] =	ssyncadd.s32 $0xFFFFE000  }
0xd1: {  	_ =	swait.ge [sflag:s23], $0x2000  }
0xd2: {  	[sflag:s23] =	ssyncset.done $0x0  }
0xd3: {  	[sflag:s23] =	ssyncadd.s32 $0xFFFFE000  }
0xd4: {  	_ =	swait.ge [sflag:s22], $0x2000  }
0xd5: {  	[sflag:s22] =	ssyncset.done $0x0  }
0xd6: {  	[sflag:s22] =	ssyncadd.s32 $0xFFFFE000  }
0xd7: {  	_ =	swait.ge [sflag:s23], $0x2000  }
0xd8: {  	[sflag:s23] =	ssyncset.done $0x0  }
0xd9: {  	[sflag:s23] =	ssyncadd.s32 $0xFFFFE000  }
0xda: {  	_ =	swait.ge [sflag:s22], $0x2000  }
0xdb: {  	[sflag:s22] =	ssyncset.done $0x0  }
0xdc: {  	[sflag:s22] =	ssyncadd.s32 $0xFFFFE000  }
0xdd: {  	_ =	swait.ge [sflag:s23], $0x2000  }
0xde: {  	[sflag:s23] =	ssyncset.done $0x0  }
0xdf: {  	[sflag:s23] =	ssyncadd.s32 $0xFFFFE000  }
0xe0: {  	_ =	swait.ge [sflag:s22], $0x2000  }
0xe1: {  	[sflag:s22] =	ssyncset.done $0x0  }
0xe2: {  	[sflag:s22] =	ssyncadd.s32 $0xFFFFE000  }
0xe3: {  	[hbm4b:s11+s2] =	stream.linear.scatter [tilespmem:s21], [sflag:$0x3], $0x2000, $0x38;
	[tilespmem:$0x10400] =	vst v63  }
0xe4: {  	_ =	swait.ge [sflag:s3], $0x2000  }
0xe5: {  	[sflag:s3] =	ssyncset.done $0x0  }
0xe6: {  	[sflag:s3] =	ssyncadd.s32 $0xFFFFE000  }
0xe7: {  	[hbm4b:s10+s2] =	stream.linear.scatter [tilespmem:s20], [sflag:$0x3], $0x2000, $0x38;
	[tilespmem:$0x10400] =	vst v63  }
0xe8: {  	_ =	swait.ge [sflag:s3], $0x2000  }
0xe9: {  	[sflag:s3] =	ssyncset.done $0x0  }
0xea: {  	[sflag:s3] =	ssyncadd.s32 $0xFFFFE000  }
0xeb: {  	[hbm4b:s9+s2] =	stream.linear.scatter [tilespmem:s17], [sflag:$0x3], $0x2000, $0x38;
	[tilespmem:$0x10400] =	vst v63  }
0xec: {  	_ =	swait.ge [sflag:s3], $0x2000  }
0xed: {  	[sflag:s3] =	ssyncset.done $0x0  }
0xee: {  	[sflag:s3] =	ssyncadd.s32 $0xFFFFE000  }
0xef: {  	[hbm4b:s8+s2] =	stream.linear.scatter [tilespmem:s16], [sflag:$0x3], $0x2000, $0x38;
	[tilespmem:$0x10400] =	vst v63  }
0xf0: {  	_ =	swait.ge [sflag:s3], $0x2000  }
0xf1: {  	[sflag:s3] =	ssyncset.done $0x0  }
0xf2: {  	[sflag:s3] =	ssyncadd.s32 $0xFFFFE000  }
0xf3: {  	[hbm4b:s7+s2] =	stream.linear.scatter [tilespmem:s15], [sflag:$0x3], $0x2000, $0x38;
	[tilespmem:$0x10400] =	vst v63  }
0xf4: {  	_ =	swait.ge [sflag:s3], $0x2000  }
0xf5: {  	[sflag:s3] =	ssyncset.done $0x0  }
0xf6: {  	[sflag:s3] =	ssyncadd.s32 $0xFFFFE000  }
0xf7: {  	[hbm4b:s6+s2] =	stream.linear.scatter [tilespmem:s13], [sflag:$0x3], $0x2000, $0x38;
	[tilespmem:$0x10400] =	vst v63  }
0xf8: {  	_ =	swait.ge [sflag:s3], $0x2000  }
0xf9: {  	[sflag:s3] =	ssyncset.done $0x0  }
0xfa: {  	[sflag:s3] =	ssyncadd.s32 $0xFFFFE000  }
0xfb: {  	[hbm4b:s5+s2] =	stream.linear.scatter [tilespmem:s14], [sflag:$0x3], $0x2000, $0x38;
	[tilespmem:$0x10400] =	vst v63  }
0xfc: {  	_ =	swait.ge [sflag:s3], $0x2000  }
0xfd: {  	[sflag:s3] =	ssyncset.done $0x0  }
0xfe: {  	[sflag:s3] =	ssyncadd.s32 $0xFFFFE000  }
0xff: {  	[hbm4b:s4+s2] =	stream.linear.scatter [tilespmem:s12], [sflag:$0x3], $0x2000, $0x38;
	[tilespmem:$0x10400] =	vst v63  }
0x100: {  	_ =	swait.ge [sflag:s3], $0x2000  }
0x101: {  	[sflag:s3] =	ssyncset.done $0x0  }
0x102: {  	[sflag:s3] =	ssyncadd.s32 $0xFFFFE000  }
0x103: {  	_ =	sfence.sel $0x180000  }
0x104: {  	[bflag:$0x0] =	sbarrier.arrive $0xFFFF  }
0x105: {  	_ =	strace $0x90000047  }
0x106: {  	s31 =	stileid.u32;
	[bflag:$0x2] =	sbarrier.arrive $0xFFFF  }
0x107: {  	p0 =	sne.s32 s31, $0x0;
	s0 =	rddreg [dreg:$0x3]  }
0x108: {  	s0 =	sadd.s32 @!p0 $0x100000, s0  }
0x109: {  	[sflag:s0] =	ssyncadd.tile.s32 @!p0 $0x1;
	_ =	shalt  }
.Lfunc_end2:
_tile_overlayer_lowered:
.L_overlay_start_2:
0x10a: {  	(tag) =	ssettag $0x2  }
0x10b: {  	s0 =	rddreg [dreg:$0x0];
	s2 =	stileid.u32  }
0x10c: {  	s1 =	rddreg [dreg:$0x1];
	p0 =	sne.s32 s2, $0x0  }
0x10d: {  	s3 =	rddreg [dreg:$0x2];
	[bflag:$0x3] =	sbarrier.arrive $0xFFFF;
	s2 =	simm.s32 @!p0 $0x1C03  }
0x10e: {  	[timem:s3], [sflag:s2] =	dma.local @!p0 [hbm:s0], s1  }
0x10f: {  	s0 =	simm.s32 @!p0 $0x3  }
0x110: {  	_ =	swait.ge @!p0 [sflag:s0], s1  }
0x111: {  	s1 =	ssub.s32 @!p0 $0x0, s1;
	[sflag:s0] =	ssyncset.done @!p0 $0x0  }
0x112: {  	[sflag:s0] =	ssyncadd.s32 @!p0 s1  }
0x113: {  	[bflag:$0x3] =	sbarrier.arrive $0xFFFF  }
0x114: {  	_ =	shalt  }

</sc_bundles>
